<compile_context>
chip_gen: v7x
topology: tpu7x:2x2x1
jax: 0.10.2.dev20260603
libtpu: 0.0.44.dev20260713+nightly
codegen_flags: <defaults>
</compile_context>

<pallas_src>
import jax
import jax.numpy as jnp
from jax import lax
from jax.experimental import pallas as pl
from jax.experimental.pallas import tpu as pltpu
from jax.experimental.pallas import tpu_sc as plsc


def _top3_t(d):
    s, n = d.shape
    iota = lax.broadcasted_iota(jnp.int32, (s, n), 0)
    fbig = jnp.float32(3.0e38)
    sbig = jnp.int32(2 * s)
    dwork = d
    idxs, recips, sels = [], [], []
    for k in range(3):
        m = jnp.min(dwork, axis=0, keepdims=True)
        elig = dwork == m
        idxm = jnp.min(jnp.where(elig, iota, sbig), axis=0, keepdims=True)
        sel = iota == idxm
        idxs.append(idxm)
        sels.append(sel)
        recips.append(1.0 / (jnp.maximum(m, 0.0) + 1e-8))
        if k < 2:
            dwork = jnp.where(sel, fbig, dwork)
    rnorm = 1.0 / (recips[0] + recips[1] + recips[2])
    ws = [r * rnorm for r in recips]
    return idxs, ws, sels


def _weight_matrix(sels, ws, like):
    w = jnp.where(sels[0], ws[0], jnp.zeros_like(like))
    w = jnp.where(sels[1], ws[1], w)
    w = jnp.where(sels[2], ws[2], w)
    return w


def _sqdist_t(r, qt):
    rr = jnp.sum(r * r, axis=-1, keepdims=True)
    qq = jnp.sum(qt * qt, axis=0, keepdims=True)
    rq = jnp.dot(r, qt, preferred_element_type=jnp.float32)
    return rr + qq - 2.0 * rq


def _select_body(x1t_ref, xyz2_ref, xt_ref, w1t_ref, b1t_ref,
                 x0t_ref, xyz1_ref, h1t_ref, idx_ref, wts_ref, h1t_s):
    j = pl.program_id(1)

    @pl.when(j == 0)
    def _stage1():
        d = _sqdist_t(xyz2_ref[0], x1t_ref[0])
        _, ws, sels = _top3_t(d)
        w = _weight_matrix(sels, ws, d)
        interp = jnp.dot(xt_ref[0], w, preferred_element_type=jnp.float32)
        h = jnp.dot(w1t_ref[...], interp, preferred_element_type=jnp.float32)
        h1t_s[...] = jnp.maximum(h + b1t_ref[...], 0.0)

    h1t_ref[0] = h1t_s[...]

    d = _sqdist_t(xyz1_ref[0], x0t_ref[0])
    idxs, ws, _ = _top3_t(d)
    idx_ref[0, 0] = jnp.concatenate(idxs, axis=0)
    wts_ref[0, 0] = jnp.concatenate(ws, axis=0)


def _sc_gather_body(h1t_hbm, idx_hbm, wts_hbm, out_hbm, h1_v, idx_v, wt_v, out_v):
    num_cores = 2
    cid = lax.axis_index("c")
    sid = lax.axis_index("s")
    wid = sid * num_cores + cid
    b = wid // 4
    part = wid % 4

    pltpu.sync_copy(h1t_hbm.at[b], h1_v)
    pltpu.sync_copy(idx_hbm.at[b, 2 * part], idx_v.at[0])
    pltpu.sync_copy(idx_hbm.at[b, 2 * part + 1], idx_v.at[1])
    pltpu.sync_copy(wts_hbm.at[b, 2 * part], wt_v.at[0])
    pltpu.sync_copy(wts_hbm.at[b, 2 * part + 1], wt_v.at[1])

    for half in range(2):
        def group(i, _, half=half):
            col = i * 16
            i1 = idx_v[half, 0, pl.ds(col, 16)]
            i2 = idx_v[half, 1, pl.ds(col, 16)]
            i3 = idx_v[half, 2, pl.ds(col, 16)]
            w1 = wt_v[half, 0, pl.ds(col, 16)]
            w2 = wt_v[half, 1, pl.ds(col, 16)]
            w3 = wt_v[half, 2, pl.ds(col, 16)]
            for c in range(12):
                base = jnp.int32(c * 1024)
                g1 = plsc.load_gather(h1_v, [base + i1])
                g2 = plsc.load_gather(h1_v, [base + i2])
                g3 = plsc.load_gather(h1_v, [base + i3])
                out_v[c, pl.ds(half * 512 + col, 16)] = w1 * g1 + w2 * g2 + w3 * g3
            return 0

        lax.fori_loop(0, 32, group, 0)
    pltpu.sync_copy(out_v, out_hbm.at[b, part])


def _mlp_body(interp_ref, w2t_ref, b2t_ref, wf1t_ref, bf1t_ref,
              wf2t_ref, bf2t_ref, wf3t_ref, bf3t_ref, x1_ref, x2_ref):
    interp = interp_ref[0, 0]
    h = jnp.maximum(
        jnp.dot(w2t_ref[...], interp, preferred_element_type=jnp.float32)
        + b2t_ref[...], 0.0)
    hf = jnp.maximum(
        jnp.dot(wf1t_ref[...], h, preferred_element_type=jnp.float32)
        + bf1t_ref[...], 0.0)
    x1_ref[0, 0] = jnp.maximum(
        jnp.dot(wf2t_ref[...], hf, preferred_element_type=jnp.float32)
        + bf2t_ref[...], 0.0)
    x2_ref[0, 0] = jnp.maximum(
        jnp.dot(wf3t_ref[...], hf, preferred_element_type=jnp.float32)
        + bf3t_ref[...], 0.0)


def kernel(xyz0, xyz1, xyz2, x, W1, b1, W2, b2, Wf1, bf1, Wf2, bf2, Wf3, bf3):
    B, N0, _ = xyz0.shape
    N1 = xyz1.shape[1]
    N2 = xyz2.shape[1]
    BLK = 512
    NCH = N0 // BLK

    x0t = jnp.swapaxes(xyz0, 1, 2)
    x1t = jnp.swapaxes(xyz1, 1, 2)
    xt = jnp.swapaxes(x, 1, 2)
    w1t, w2t = W1.T, W2.T
    wf1t, wf2t, wf3t = Wf1.T, Wf2.T, Wf3.T
    b1t = b1.reshape(-1, 1)
    b2t = b2.reshape(-1, 1)
    bf1t = bf1.reshape(-1, 1)
    bf2t = bf2.reshape(-1, 1)
    bf3t = bf3.reshape(-1, 1)

    h1t, idx3, wts3 = pl.pallas_call(
        _select_body,
        grid=(B, NCH),
        in_specs=[
            pl.BlockSpec((1, 3, N1), lambda b, j: (b, 0, 0)),
            pl.BlockSpec((1, N2, 3), lambda b, j: (b, 0, 0)),
            pl.BlockSpec((1, 6, N2), lambda b, j: (b, 0, 0)),
            pl.BlockSpec(w1t.shape, lambda b, j: (0, 0)),
            pl.BlockSpec((12, 1), lambda b, j: (0, 0)),
            pl.BlockSpec((1, 3, BLK), lambda b, j: (b, 0, j)),
            pl.BlockSpec((1, N1, 3), lambda b, j: (b, 0, 0)),
        ],
        out_specs=[
            pl.BlockSpec((1, 12, N1), lambda b, j: (b, 0, 0)),
            pl.BlockSpec((1, 1, 3, BLK), lambda b, j: (b, j, 0, 0)),
            pl.BlockSpec((1, 1, 3, BLK), lambda b, j: (b, j, 0, 0)),
        ],
        out_shape=[
            jax.ShapeDtypeStruct((B, 12, N1), jnp.float32),
            jax.ShapeDtypeStruct((B, NCH, 3, BLK), jnp.int32),
            jax.ShapeDtypeStruct((B, NCH, 3, BLK), jnp.float32),
        ],
        scratch_shapes=[pltpu.VMEM((12, N1), jnp.float32)],
    )(x1t, xyz2, xt, w1t, b1t, x0t, xyz1)

    h1flat = h1t.reshape(B, 12 * N1)

    mesh = plsc.VectorSubcoreMesh(core_axis_name="c", subcore_axis_name="s")
    sc_gather = pl.kernel(
        _sc_gather_body,
        out_type=jax.ShapeDtypeStruct((B, 4, 12, 1024), jnp.float32),
        mesh=mesh,
        compiler_params=pltpu.CompilerParams(needs_layout_passes=False),
        scratch_types=[
            pltpu.VMEM((12 * N1,), jnp.float32),
            pltpu.VMEM((2, 3, BLK), jnp.int32),
            pltpu.VMEM((2, 3, BLK), jnp.float32),
            pltpu.VMEM((12, 1024), jnp.float32),
        ],
    )
    interp = sc_gather(h1flat, idx3, wts3)

    x1o, x2o = pl.pallas_call(
        _mlp_body,
        grid=(B, 4),
        in_specs=[
            pl.BlockSpec((1, 1, 12, 1024), lambda b, p: (b, p, 0, 0)),
            pl.BlockSpec(w2t.shape, lambda b, p: (0, 0)),
            pl.BlockSpec((12, 1), lambda b, p: (0, 0)),
            pl.BlockSpec(wf1t.shape, lambda b, p: (0, 0)),
            pl.BlockSpec((24, 1), lambda b, p: (0, 0)),
            pl.BlockSpec(wf2t.shape, lambda b, p: (0, 0)),
            pl.BlockSpec((8, 1), lambda b, p: (0, 0)),
            pl.BlockSpec(wf3t.shape, lambda b, p: (0, 0)),
            pl.BlockSpec((8, 1), lambda b, p: (0, 0)),
        ],
        out_specs=[
            pl.BlockSpec((1, 1, 8, 1024), lambda b, p: (b, p, 0, 0)),
            pl.BlockSpec((1, 1, 8, 1024), lambda b, p: (b, p, 0, 0)),
        ],
        out_shape=[
            jax.ShapeDtypeStruct((B, 4, 8, 1024), jnp.float32),
            jax.ShapeDtypeStruct((B, 4, 8, 1024), jnp.float32),
        ],
    )(interp, w2t, b2t, wf1t, bf1t, wf2t, bf2t, wf3t, bf3t)

    x1f = x1o.transpose(0, 1, 3, 2).reshape(B, N0, 8)
    x2f = x2o.transpose(0, 1, 3, 2).reshape(B, N0, 8)
    return (x1f, x2f)

# --- scband reference (transcript-rebuilt; emitter-appended) ---
"""Pipeline reference for scband-hyper-decoder-78915729097365 (READ-ONLY COPY).

The authoritative reference and input builder live on the scoring server;
editing this copy changes nothing except your own understanding.
"""

import jax, jax.numpy as jnp
import numpy as np


def _sqdist(a, b):
    # a: [B, N, 3], b: [B, S, 3] -> [B, N, S]
    return (jnp.sum(a * a, -1)[:, :, None]
            + jnp.sum(b * b, -1)[:, None, :]
            - 2.0 * jnp.einsum('bnd,bsd->bns', a, b))


def _fp(xyz1, xyz2, points2, W, b):
    # PointNet++ feature propagation: 3-NN inverse-distance interpolation
    # of points2 (defined at xyz2) onto xyz1, then per-point linear + ReLU.
    d = _sqdist(xyz1, xyz2)                      # [B, N, S]
    neg, idx = jax.lax.top_k(-d, 3)              # 3 smallest distances
    dist = jnp.maximum(-neg, 0.0)                # [B, N, 3]
    recip = 1.0 / (dist + 1e-8)
    w = recip / jnp.sum(recip, -1, keepdims=True)
    g = jax.vmap(lambda p, i: p[i])(points2, idx)   # [B, N, 3, C]
    interp = jnp.sum(g * w[..., None], axis=2)      # [B, N, C]
    return jax.nn.relu(interp @ W + b)


def setup_inputs(seed: int = 0):
    key = jax.random.key(seed)
    ks = jax.random.split(key, 16)
    B, N0, N1, N2 = 8, 4096, 1024, 256

    def glorot(k, shape):
        lim = (6.0 / (shape[0] + shape[1])) ** 0.5
        return jax.random.uniform(k, shape, jnp.float32, -lim, lim)

    return {
        'xyz0': jax.random.uniform(ks[0], (B, N0, 3), jnp.float32),
        'xyz1': jax.random.uniform(ks[1], (B, N1, 3), jnp.float32),
        'xyz2': jax.random.uniform(ks[2], (B, N2, 3), jnp.float32),
        'x': jax.random.normal(ks[3], (B, N2, 6), jnp.float32),
        'W1': glorot(ks[4], (6, 12)),
        'b1': jnp.zeros((12,), jnp.float32),
        'W2': glorot(ks[5], (12, 12)),
        'b2': jnp.zeros((12,), jnp.float32),
        'Wf1': glorot(ks[6], (12, 24)),
        'bf1': jnp.zeros((24,), jnp.float32),
        'Wf2': glorot(ks[7], (24, 8)),
        'bf2': jnp.zeros((8,), jnp.float32),
        'Wf3': glorot(ks[8], (24, 8)),
        'bf3': jnp.zeros((8,), jnp.float32),
    }


def reference(xyz0, xyz1, xyz2, x, W1, b1, W2, b2, Wf1, bf1, Wf2, bf2, Wf3, bf3):
    h = _fp(xyz1, xyz2, x, W1, b1)      # up1: N2 -> N1, 6 -> 12
    h = _fp(xyz0, xyz1, h, W2, b2)      # up2: N1 -> N0, 12 -> 12
    h = jax.nn.relu(h @ Wf1 + bf1)      # fc1: 12 -> 24
    x1 = jax.nn.relu(h @ Wf2 + bf2)     # fc2: 24 -> 8
    x2 = jax.nn.relu(h @ Wf3 + bf3)     # fc3: 24 -> 8
    return (x1, x2)

if __name__ == "__main__":
    import jax
    _d = setup_inputs()
    print(jax.jit(kernel)(*tuple(_d.values())))

</pallas_src>

<mosaic_0001>
#map = affine_map<(d0, d1) -> (0, 0)>
#map1 = affine_map<(d0, d1) -> (0, 0, 0, 0)>
module attributes {stable_mosaic.version = 14 : i64} {
  func.func @_sc_gather_body(%arg0: i32, %arg1: i32, %arg2: memref<8x12288xf32, #tpu.memory_space<hbm>>, %arg3: memref<8x8x3x512xi32, #tpu.memory_space<hbm>>, %arg4: memref<8x8x3x512xf32, #tpu.memory_space<hbm>>, %arg5: memref<8x4x12x1024xf32, #tpu.memory_space<hbm>>, %arg6: memref<12288xf32, #tpu.memory_space<vmem>>, %arg7: memref<2x3x512xi32, #tpu.memory_space<vmem>>, %arg8: memref<2x3x512xf32, #tpu.memory_space<vmem>>, %arg9: memref<12x1024xf32, #tpu.memory_space<vmem>>) attributes {dimension_semantics = [#tpu.dimension_semantics<core_parallel>, #tpu.dimension_semantics<subcore_parallel>], iteration_bounds = array<i64: 2, 16>, scalar_prefetch = 0 : i64, scratch_operands = 4 : i64, tpu.core_type = #tpu.core_type<sc_vector_subcore>, window_params = [{transform_indices = #map}, {transform_indices = #map1}, {transform_indices = #map1}, {transform_indices = #map1}]} {
    %mul3A = arith.constant 2 : i32
    %mul3A_0 = arith.muli %arg1, %mul3A : i32
    %add3A = arith.addi %mul3A_0, %arg0 : i32
    %jit3A = arith.constant 4 : i32
    %div3A = arith.divsi %add3A, %jit3A : i32
    %sign3A = arith.constant 0 : i32
    %sign3A_1 = arith.cmpi sgt, %add3A, %sign3A : i32
    %sign3A_2 = arith.extui %sign3A_1 : i1 to i32
    %sign3A_3 = arith.constant 0 : i32
    %sign3A_4 = arith.cmpi slt, %add3A, %sign3A_3 : i32
    %sign3A_5 = arith.extui %sign3A_4 : i1 to i32
    %sign3A_6 = arith.subi %sign3A_2, %sign3A_5 : i32
    %sign3A_7 = arith.constant 0 : i32
    %sign3A_8 = arith.cmpi sgt, %jit3A, %sign3A_7 : i32
    %sign3A_9 = arith.extui %sign3A_8 : i1 to i32
    %sign3A_10 = arith.constant 0 : i32
    %sign3A_11 = arith.cmpi slt, %jit3A, %sign3A_10 : i32
    %sign3A_12 = arith.extui %sign3A_11 : i1 to i32
    %sign3A_13 = arith.subi %sign3A_9, %sign3A_12 : i32
    %ne3A = arith.cmpi ne, %sign3A_6, %sign3A_13 : i32
    %rem3A = arith.remsi %add3A, %jit3A : i32
    %ne3A_14 = arith.constant 0 : i32
    %ne3A_15 = arith.cmpi ne, %rem3A, %ne3A_14 : i32
    %and3A = arith.andi %ne3A, %ne3A_15 : i1
    %sub3A = arith.constant 1 : i32
    %sub3A_16 = arith.subi %div3A, %sub3A : i32
    %select_n3A = arith.select %and3A, %sub3A_16, %div3A : i32
    %jit3A_17 = arith.constant 4 : i32
    %eq3A = arith.constant 0 : i32
    %eq3A_18 = arith.cmpi eq, %jit3A_17, %eq3A : i32
    %jit3A_19 = arith.constant 1 : i32
    %select_n3A_20 = arith.select %eq3A_18, %jit3A_19, %jit3A_17 : i32
    %rem3A_21 = arith.remsi %add3A, %select_n3A_20 : i32
    %ne3A_22 = arith.constant 0 : i32
    %ne3A_23 = arith.cmpi ne, %rem3A_21, %ne3A_22 : i32
    %lt3A = arith.constant 0 : i32
    %lt3A_24 = arith.cmpi slt, %rem3A_21, %lt3A : i32
    %lt3A_25 = arith.constant 0 : i32
    %lt3A_26 = arith.cmpi slt, %select_n3A_20, %lt3A_25 : i32
    %ne3A_27 = arith.xori %lt3A_24, %lt3A_26 : i1
    %and3A_28 = arith.andi %ne3A_27, %ne3A_23 : i1
    %add3A_29 = arith.addi %rem3A_21, %select_n3A_20 : i32
    %select_n3A_30 = arith.select %and3A_28, %add3A_29, %rem3A_21 : i32
    "tpu.region"() ({
      %run_scoped3A_59 = tpu.sem_alloc : memref<!tpu.dma_semaphore, #tpu.memory_space<semaphore_mem>>
      %dma_start3A = arith.constant 0 : i32
      %dma_start3A_60 = tpu.memref_slice %arg2[%select_n3A, %dma_start3A] : memref<8x12288xf32, #tpu.memory_space<hbm>> -> memref<1x12288xf32, #tpu.memory_space<hbm>>
      %dma_start3A_61 = tpu.memref_squeeze %dma_start3A_60 : memref<1x12288xf32, #tpu.memory_space<hbm>> -> memref<12288xf32, #tpu.memory_space<hbm>>
      %dma_start3A_62 = arith.constant 0 : i32
      %dma_start3A_63 = tpu.memref_slice %arg2[%select_n3A, %dma_start3A_62] : memref<8x12288xf32, #tpu.memory_space<hbm>> -> memref<1x12288xf32, #tpu.memory_space<hbm>>
      %dma_start3A_64 = tpu.memref_squeeze %dma_start3A_63 : memref<1x12288xf32, #tpu.memory_space<hbm>> -> memref<12288xf32, #tpu.memory_space<hbm>>
      tpu.enqueue_dma source(%dma_start3A_64 : memref<12288xf32, #tpu.memory_space<hbm>>) target(%arg6 : memref<12288xf32, #tpu.memory_space<vmem>>) target_semaphore(%run_scoped3A_59 : memref<!tpu.dma_semaphore, #tpu.memory_space<semaphore_mem>>)
      %dma_wait3A = arith.constant 0 : i32
      %dma_wait3A_65 = tpu.memref_slice %arg2[%select_n3A, %dma_wait3A] : memref<8x12288xf32, #tpu.memory_space<hbm>> -> memref<1x12288xf32, #tpu.memory_space<hbm>>
      %dma_wait3A_66 = tpu.memref_squeeze %dma_wait3A_65 : memref<1x12288xf32, #tpu.memory_space<hbm>> -> memref<12288xf32, #tpu.memory_space<hbm>>
      %dma_wait3A_67 = arith.constant 0 : i32
      %dma_wait3A_68 = tpu.memref_slice %arg2[%select_n3A, %dma_wait3A_67] : memref<8x12288xf32, #tpu.memory_space<hbm>> -> memref<1x12288xf32, #tpu.memory_space<hbm>>
      %dma_wait3A_69 = tpu.memref_squeeze %dma_wait3A_68 : memref<1x12288xf32, #tpu.memory_space<hbm>> -> memref<12288xf32, #tpu.memory_space<hbm>>
      tpu.wait_dma2 semaphore(%run_scoped3A_59 : memref<!tpu.dma_semaphore, #tpu.memory_space<semaphore_mem>>) src(%dma_wait3A_69 : memref<12288xf32, #tpu.memory_space<hbm>>) dst(%arg6 : memref<12288xf32, #tpu.memory_space<vmem>>)
      tpu.yield
    }) : () -> ()
    %mul3A_31 = arith.constant 2 : i32
    %mul3A_32 = arith.muli %mul3A_31, %select_n3A_30 : i32
    %run_scoped3A = arith.constant 0 : i32
    "tpu.region"() ({
      %run_scoped3A_59 = tpu.sem_alloc : memref<!tpu.dma_semaphore, #tpu.memory_space<semaphore_mem>>
      %dma_start3A = arith.constant 0 : i32
      %dma_start3A_60 = arith.constant 0 : i32
      %dma_start3A_61 = tpu.memref_slice %arg7[%run_scoped3A, %dma_start3A, %dma_start3A_60] : memref<2x3x512xi32, #tpu.memory_space<vmem>> -> memref<1x3x512xi32, #tpu.memory_space<vmem>>
      %dma_start3A_62 = tpu.memref_squeeze %dma_start3A_61 : memref<1x3x512xi32, #tpu.memory_space<vmem>> -> memref<3x512xi32, #tpu.memory_space<vmem>>
      %dma_start3A_63 = arith.constant 0 : i32
      %dma_start3A_64 = arith.constant 0 : i32
      %dma_start3A_65 = tpu.memref_slice %arg3[%select_n3A, %mul3A_32, %dma_start3A_63, %dma_start3A_64] : memref<8x8x3x512xi32, #tpu.memory_space<hbm>> -> memref<1x1x3x512xi32, #tpu.memory_space<hbm>>
      %dma_start3A_66 = tpu.memref_squeeze %dma_start3A_65 : memref<1x1x3x512xi32, #tpu.memory_space<hbm>> -> memref<3x512xi32, #tpu.memory_space<hbm>>
      %dma_start3A_67 = arith.constant 0 : i32
      %dma_start3A_68 = arith.constant 0 : i32
      %dma_start3A_69 = tpu.memref_slice %arg7[%run_scoped3A, %dma_start3A_67, %dma_start3A_68] : memref<2x3x512xi32, #tpu.memory_space<vmem>> -> memref<1x3x512xi32, #tpu.memory_space<vmem>>
      %dma_start3A_70 = tpu.memref_squeeze %dma_start3A_69 : memref<1x3x512xi32, #tpu.memory_space<vmem>> -> memref<3x512xi32, #tpu.memory_space<vmem>>
      %dma_start3A_71 = arith.constant 0 : i32
      %dma_start3A_72 = arith.constant 0 : i32
      %dma_start3A_73 = tpu.memref_slice %arg3[%select_n3A, %mul3A_32, %dma_start3A_71, %dma_start3A_72] : memref<8x8x3x512xi32, #tpu.memory_space<hbm>> -> memref<1x1x3x512xi32, #tpu.memory_space<hbm>>
      %dma_start3A_74 = tpu.memref_squeeze %dma_start3A_73 : memref<1x1x3x512xi32, #tpu.memory_space<hbm>> -> memref<3x512xi32, #tpu.memory_space<hbm>>
      tpu.enqueue_dma source(%dma_start3A_74 : memref<3x512xi32, #tpu.memory_space<hbm>>) target(%dma_start3A_70 : memref<3x512xi32, #tpu.memory_space<vmem>>) target_semaphore(%run_scoped3A_59 : memref<!tpu.dma_semaphore, #tpu.memory_space<semaphore_mem>>)
      %dma_wait3A = arith.constant 0 : i32
      %dma_wait3A_75 = arith.constant 0 : i32
      %dma_wait3A_76 = tpu.memref_slice %arg7[%run_scoped3A, %dma_wait3A, %dma_wait3A_75] : memref<2x3x512xi32, #tpu.memory_space<vmem>> -> memref<1x3x512xi32, #tpu.memory_space<vmem>>
      %dma_wait3A_77 = tpu.memref_squeeze %dma_wait3A_76 : memref<1x3x512xi32, #tpu.memory_space<vmem>> -> memref<3x512xi32, #tpu.memory_space<vmem>>
      %dma_wait3A_78 = arith.constant 0 : i32
      %dma_wait3A_79 = arith.constant 0 : i32
      %dma_wait3A_80 = tpu.memref_slice %arg3[%select_n3A, %mul3A_32, %dma_wait3A_78, %dma_wait3A_79] : memref<8x8x3x512xi32, #tpu.memory_space<hbm>> -> memref<1x1x3x512xi32, #tpu.memory_space<hbm>>
      %dma_wait3A_81 = tpu.memref_squeeze %dma_wait3A_80 : memref<1x1x3x512xi32, #tpu.memory_space<hbm>> -> memref<3x512xi32, #tpu.memory_space<hbm>>
      %dma_wait3A_82 = arith.constant 0 : i32
      %dma_wait3A_83 = arith.constant 0 : i32
      %dma_wait3A_84 = tpu.memref_slice %arg7[%run_scoped3A, %dma_wait3A_82, %dma_wait3A_83] : memref<2x3x512xi32, #tpu.memory_space<vmem>> -> memref<1x3x512xi32, #tpu.memory_space<vmem>>
      %dma_wait3A_85 = tpu.memref_squeeze %dma_wait3A_84 : memref<1x3x512xi32, #tpu.memory_space<vmem>> -> memref<3x512xi32, #tpu.memory_space<vmem>>
      %dma_wait3A_86 = arith.constant 0 : i32
      %dma_wait3A_87 = arith.constant 0 : i32
      %dma_wait3A_88 = tpu.memref_slice %arg3[%select_n3A, %mul3A_32, %dma_wait3A_86, %dma_wait3A_87] : memref<8x8x3x512xi32, #tpu.memory_space<hbm>> -> memref<1x1x3x512xi32, #tpu.memory_space<hbm>>
      %dma_wait3A_89 = tpu.memref_squeeze %dma_wait3A_88 : memref<1x1x3x512xi32, #tpu.memory_space<hbm>> -> memref<3x512xi32, #tpu.memory_space<hbm>>
      tpu.wait_dma2 semaphore(%run_scoped3A_59 : memref<!tpu.dma_semaphore, #tpu.memory_space<semaphore_mem>>) src(%dma_wait3A_89 : memref<3x512xi32, #tpu.memory_space<hbm>>) dst(%dma_wait3A_85 : memref<3x512xi32, #tpu.memory_space<vmem>>)
      tpu.yield
    }) : () -> ()
    %mul3A_33 = arith.constant 2 : i32
    %mul3A_34 = arith.muli %mul3A_33, %select_n3A_30 : i32
    %add3A_35 = arith.constant 1 : i32
    %add3A_36 = arith.addi %mul3A_34, %add3A_35 : i32
    %run_scoped3A_37 = arith.constant 1 : i32
    "tpu.region"() ({
      %run_scoped3A_59 = tpu.sem_alloc : memref<!tpu.dma_semaphore, #tpu.memory_space<semaphore_mem>>
      %dma_start3A = arith.constant 0 : i32
      %dma_start3A_60 = arith.constant 0 : i32
      %dma_start3A_61 = tpu.memref_slice %arg7[%run_scoped3A_37, %dma_start3A, %dma_start3A_60] : memref<2x3x512xi32, #tpu.memory_space<vmem>> -> memref<1x3x512xi32, #tpu.memory_space<vmem>>
      %dma_start3A_62 = tpu.memref_squeeze %dma_start3A_61 : memref<1x3x512xi32, #tpu.memory_space<vmem>> -> memref<3x512xi32, #tpu.memory_space<vmem>>
      %dma_start3A_63 = arith.constant 0 : i32
      %dma_start3A_64 = arith.constant 0 : i32
      %dma_start3A_65 = tpu.memref_slice %arg3[%select_n3A, %add3A_36, %dma_start3A_63, %dma_start3A_64] : memref<8x8x3x512xi32, #tpu.memory_space<hbm>> -> memref<1x1x3x512xi32, #tpu.memory_space<hbm>>
      %dma_start3A_66 = tpu.memref_squeeze %dma_start3A_65 : memref<1x1x3x512xi32, #tpu.memory_space<hbm>> -> memref<3x512xi32, #tpu.memory_space<hbm>>
      %dma_start3A_67 = arith.constant 0 : i32
      %dma_start3A_68 = arith.constant 0 : i32
      %dma_start3A_69 = tpu.memref_slice %arg7[%run_scoped3A_37, %dma_start3A_67, %dma_start3A_68] : memref<2x3x512xi32, #tpu.memory_space<vmem>> -> memref<1x3x512xi32, #tpu.memory_space<vmem>>
      %dma_start3A_70 = tpu.memref_squeeze %dma_start3A_69 : memref<1x3x512xi32, #tpu.memory_space<vmem>> -> memref<3x512xi32, #tpu.memory_space<vmem>>
      %dma_start3A_71 = arith.constant 0 : i32
      %dma_start3A_72 = arith.constant 0 : i32
      %dma_start3A_73 = tpu.memref_slice %arg3[%select_n3A, %add3A_36, %dma_start3A_71, %dma_start3A_72] : memref<8x8x3x512xi32, #tpu.memory_space<hbm>> -> memref<1x1x3x512xi32, #tpu.memory_space<hbm>>
      %dma_start3A_74 = tpu.memref_squeeze %dma_start3A_73 : memref<1x1x3x512xi32, #tpu.memory_space<hbm>> -> memref<3x512xi32, #tpu.memory_space<hbm>>
      tpu.enqueue_dma source(%dma_start3A_74 : memref<3x512xi32, #tpu.memory_space<hbm>>) target(%dma_start3A_70 : memref<3x512xi32, #tpu.memory_space<vmem>>) target_semaphore(%run_scoped3A_59 : memref<!tpu.dma_semaphore, #tpu.memory_space<semaphore_mem>>)
      %dma_wait3A = arith.constant 0 : i32
      %dma_wait3A_75 = arith.constant 0 : i32
      %dma_wait3A_76 = tpu.memref_slice %arg7[%run_scoped3A_37, %dma_wait3A, %dma_wait3A_75] : memref<2x3x512xi32, #tpu.memory_space<vmem>> -> memref<1x3x512xi32, #tpu.memory_space<vmem>>
      %dma_wait3A_77 = tpu.memref_squeeze %dma_wait3A_76 : memref<1x3x512xi32, #tpu.memory_space<vmem>> -> memref<3x512xi32, #tpu.memory_space<vmem>>
      %dma_wait3A_78 = arith.constant 0 : i32
      %dma_wait3A_79 = arith.constant 0 : i32
      %dma_wait3A_80 = tpu.memref_slice %arg3[%select_n3A, %add3A_36, %dma_wait3A_78, %dma_wait3A_79] : memref<8x8x3x512xi32, #tpu.memory_space<hbm>> -> memref<1x1x3x512xi32, #tpu.memory_space<hbm>>
      %dma_wait3A_81 = tpu.memref_squeeze %dma_wait3A_80 : memref<1x1x3x512xi32, #tpu.memory_space<hbm>> -> memref<3x512xi32, #tpu.memory_space<hbm>>
      %dma_wait3A_82 = arith.constant 0 : i32
      %dma_wait3A_83 = arith.constant 0 : i32
      %dma_wait3A_84 = tpu.memref_slice %arg7[%run_scoped3A_37, %dma_wait3A_82, %dma_wait3A_83] : memref<2x3x512xi32, #tpu.memory_space<vmem>> -> memref<1x3x512xi32, #tpu.memory_space<vmem>>
      %dma_wait3A_85 = tpu.memref_squeeze %dma_wait3A_84 : memref<1x3x512xi32, #tpu.memory_space<vmem>> -> memref<3x512xi32, #tpu.memory_space<vmem>>
      %dma_wait3A_86 = arith.constant 0 : i32
      %dma_wait3A_87 = arith.constant 0 : i32
      %dma_wait3A_88 = tpu.memref_slice %arg3[%select_n3A, %add3A_36, %dma_wait3A_86, %dma_wait3A_87] : memref<8x8x3x512xi32, #tpu.memory_space<hbm>> -> memref<1x1x3x512xi32, #tpu.memory_space<hbm>>
      %dma_wait3A_89 = tpu.memref_squeeze %dma_wait3A_88 : memref<1x1x3x512xi32, #tpu.memory_space<hbm>> -> memref<3x512xi32, #tpu.memory_space<hbm>>
      tpu.wait_dma2 semaphore(%run_scoped3A_59 : memref<!tpu.dma_semaphore, #tpu.memory_space<semaphore_mem>>) src(%dma_wait3A_89 : memref<3x512xi32, #tpu.memory_space<hbm>>) dst(%dma_wait3A_85 : memref<3x512xi32, #tpu.memory_space<vmem>>)
      tpu.yield
    }) : () -> ()
    %mul3A_38 = arith.constant 2 : i32
    %mul3A_39 = arith.muli %mul3A_38, %select_n3A_30 : i32
    %run_scoped3A_40 = arith.constant 0 : i32
    "tpu.region"() ({
      %run_scoped3A_59 = tpu.sem_alloc : memref<!tpu.dma_semaphore, #tpu.memory_space<semaphore_mem>>
      %dma_start3A = arith.constant 0 : i32
      %dma_start3A_60 = arith.constant 0 : i32
      %dma_start3A_61 = tpu.memref_slice %arg8[%run_scoped3A_40, %dma_start3A, %dma_start3A_60] : memref<2x3x512xf32, #tpu.memory_space<vmem>> -> memref<1x3x512xf32, #tpu.memory_space<vmem>>
      %dma_start3A_62 = tpu.memref_squeeze %dma_start3A_61 : memref<1x3x512xf32, #tpu.memory_space<vmem>> -> memref<3x512xf32, #tpu.memory_space<vmem>>
      %dma_start3A_63 = arith.constant 0 : i32
      %dma_start3A_64 = arith.constant 0 : i32
      %dma_start3A_65 = tpu.memref_slice %arg4[%select_n3A, %mul3A_39, %dma_start3A_63, %dma_start3A_64] : memref<8x8x3x512xf32, #tpu.memory_space<hbm>> -> memref<1x1x3x512xf32, #tpu.memory_space<hbm>>
      %dma_start3A_66 = tpu.memref_squeeze %dma_start3A_65 : memref<1x1x3x512xf32, #tpu.memory_space<hbm>> -> memref<3x512xf32, #tpu.memory_space<hbm>>
      %dma_start3A_67 = arith.constant 0 : i32
      %dma_start3A_68 = arith.constant 0 : i32
      %dma_start3A_69 = tpu.memref_slice %arg8[%run_scoped3A_40, %dma_start3A_67, %dma_start3A_68] : memref<2x3x512xf32, #tpu.memory_space<vmem>> -> memref<1x3x512xf32, #tpu.memory_space<vmem>>
      %dma_start3A_70 = tpu.memref_squeeze %dma_start3A_69 : memref<1x3x512xf32, #tpu.memory_space<vmem>> -> memref<3x512xf32, #tpu.memory_space<vmem>>
      %dma_start3A_71 = arith.constant 0 : i32
      %dma_start3A_72 = arith.constant 0 : i32
      %dma_start3A_73 = tpu.memref_slice %arg4[%select_n3A, %mul3A_39, %dma_start3A_71, %dma_start3A_72] : memref<8x8x3x512xf32, #tpu.memory_space<hbm>> -> memref<1x1x3x512xf32, #tpu.memory_space<hbm>>
      %dma_start3A_74 = tpu.memref_squeeze %dma_start3A_73 : memref<1x1x3x512xf32, #tpu.memory_space<hbm>> -> memref<3x512xf32, #tpu.memory_space<hbm>>
      tpu.enqueue_dma source(%dma_start3A_74 : memref<3x512xf32, #tpu.memory_space<hbm>>) target(%dma_start3A_70 : memref<3x512xf32, #tpu.memory_space<vmem>>) target_semaphore(%run_scoped3A_59 : memref<!tpu.dma_semaphore, #tpu.memory_space<semaphore_mem>>)
      %dma_wait3A = arith.constant 0 : i32
      %dma_wait3A_75 = arith.constant 0 : i32
      %dma_wait3A_76 = tpu.memref_slice %arg8[%run_scoped3A_40, %dma_wait3A, %dma_wait3A_75] : memref<2x3x512xf32, #tpu.memory_space<vmem>> -> memref<1x3x512xf32, #tpu.memory_space<vmem>>
      %dma_wait3A_77 = tpu.memref_squeeze %dma_wait3A_76 : memref<1x3x512xf32, #tpu.memory_space<vmem>> -> memref<3x512xf32, #tpu.memory_space<vmem>>
      %dma_wait3A_78 = arith.constant 0 : i32
      %dma_wait3A_79 = arith.constant 0 : i32
      %dma_wait3A_80 = tpu.memref_slice %arg4[%select_n3A, %mul3A_39, %dma_wait3A_78, %dma_wait3A_79] : memref<8x8x3x512xf32, #tpu.memory_space<hbm>> -> memref<1x1x3x512xf32, #tpu.memory_space<hbm>>
      %dma_wait3A_81 = tpu.memref_squeeze %dma_wait3A_80 : memref<1x1x3x512xf32, #tpu.memory_space<hbm>> -> memref<3x512xf32, #tpu.memory_space<hbm>>
      %dma_wait3A_82 = arith.constant 0 : i32
      %dma_wait3A_83 = arith.constant 0 : i32
      %dma_wait3A_84 = tpu.memref_slice %arg8[%run_scoped3A_40, %dma_wait3A_82, %dma_wait3A_83] : memref<2x3x512xf32, #tpu.memory_space<vmem>> -> memref<1x3x512xf32, #tpu.memory_space<vmem>>
      %dma_wait3A_85 = tpu.memref_squeeze %dma_wait3A_84 : memref<1x3x512xf32, #tpu.memory_space<vmem>> -> memref<3x512xf32, #tpu.memory_space<vmem>>
      %dma_wait3A_86 = arith.constant 0 : i32
      %dma_wait3A_87 = arith.constant 0 : i32
      %dma_wait3A_88 = tpu.memref_slice %arg4[%select_n3A, %mul3A_39, %dma_wait3A_86, %dma_wait3A_87] : memref<8x8x3x512xf32, #tpu.memory_space<hbm>> -> memref<1x1x3x512xf32, #tpu.memory_space<hbm>>
      %dma_wait3A_89 = tpu.memref_squeeze %dma_wait3A_88 : memref<1x1x3x512xf32, #tpu.memory_space<hbm>> -> memref<3x512xf32, #tpu.memory_space<hbm>>
      tpu.wait_dma2 semaphore(%run_scoped3A_59 : memref<!tpu.dma_semaphore, #tpu.memory_space<semaphore_mem>>) src(%dma_wait3A_89 : memref<3x512xf32, #tpu.memory_space<hbm>>) dst(%dma_wait3A_85 : memref<3x512xf32, #tpu.memory_space<vmem>>)
      tpu.yield
    }) : () -> ()
    %mul3A_41 = arith.constant 2 : i32
    %mul3A_42 = arith.muli %mul3A_41, %select_n3A_30 : i32
    %add3A_43 = arith.constant 1 : i32
    %add3A_44 = arith.addi %mul3A_42, %add3A_43 : i32
    %run_scoped3A_45 = arith.constant 1 : i32
    "tpu.region"() ({
      %run_scoped3A_59 = tpu.sem_alloc : memref<!tpu.dma_semaphore, #tpu.memory_space<semaphore_mem>>
      %dma_start3A = arith.constant 0 : i32
      %dma_start3A_60 = arith.constant 0 : i32
      %dma_start3A_61 = tpu.memref_slice %arg8[%run_scoped3A_45, %dma_start3A, %dma_start3A_60] : memref<2x3x512xf32, #tpu.memory_space<vmem>> -> memref<1x3x512xf32, #tpu.memory_space<vmem>>
      %dma_start3A_62 = tpu.memref_squeeze %dma_start3A_61 : memref<1x3x512xf32, #tpu.memory_space<vmem>> -> memref<3x512xf32, #tpu.memory_space<vmem>>
      %dma_start3A_63 = arith.constant 0 : i32
      %dma_start3A_64 = arith.constant 0 : i32
      %dma_start3A_65 = tpu.memref_slice %arg4[%select_n3A, %add3A_44, %dma_start3A_63, %dma_start3A_64] : memref<8x8x3x512xf32, #tpu.memory_space<hbm>> -> memref<1x1x3x512xf32, #tpu.memory_space<hbm>>
      %dma_start3A_66 = tpu.memref_squeeze %dma_start3A_65 : memref<1x1x3x512xf32, #tpu.memory_space<hbm>> -> memref<3x512xf32, #tpu.memory_space<hbm>>
      %dma_start3A_67 = arith.constant 0 : i32
      %dma_start3A_68 = arith.constant 0 : i32
      %dma_start3A_69 = tpu.memref_slice %arg8[%run_scoped3A_45, %dma_start3A_67, %dma_start3A_68] : memref<2x3x512xf32, #tpu.memory_space<vmem>> -> memref<1x3x512xf32, #tpu.memory_space<vmem>>
      %dma_start3A_70 = tpu.memref_squeeze %dma_start3A_69 : memref<1x3x512xf32, #tpu.memory_space<vmem>> -> memref<3x512xf32, #tpu.memory_space<vmem>>
      %dma_start3A_71 = arith.constant 0 : i32
      %dma_start3A_72 = arith.constant 0 : i32
      %dma_start3A_73 = tpu.memref_slice %arg4[%select_n3A, %add3A_44, %dma_start3A_71, %dma_start3A_72] : memref<8x8x3x512xf32, #tpu.memory_space<hbm>> -> memref<1x1x3x512xf32, #tpu.memory_space<hbm>>
      %dma_start3A_74 = tpu.memref_squeeze %dma_start3A_73 : memref<1x1x3x512xf32, #tpu.memory_space<hbm>> -> memref<3x512xf32, #tpu.memory_space<hbm>>
      tpu.enqueue_dma source(%dma_start3A_74 : memref<3x512xf32, #tpu.memory_space<hbm>>) target(%dma_start3A_70 : memref<3x512xf32, #tpu.memory_space<vmem>>) target_semaphore(%run_scoped3A_59 : memref<!tpu.dma_semaphore, #tpu.memory_space<semaphore_mem>>)
      %dma_wait3A = arith.constant 0 : i32
      %dma_wait3A_75 = arith.constant 0 : i32
      %dma_wait3A_76 = tpu.memref_slice %arg8[%run_scoped3A_45, %dma_wait3A, %dma_wait3A_75] : memref<2x3x512xf32, #tpu.memory_space<vmem>> -> memref<1x3x512xf32, #tpu.memory_space<vmem>>
      %dma_wait3A_77 = tpu.memref_squeeze %dma_wait3A_76 : memref<1x3x512xf32, #tpu.memory_space<vmem>> -> memref<3x512xf32, #tpu.memory_space<vmem>>
      %dma_wait3A_78 = arith.constant 0 : i32
      %dma_wait3A_79 = arith.constant 0 : i32
      %dma_wait3A_80 = tpu.memref_slice %arg4[%select_n3A, %add3A_44, %dma_wait3A_78, %dma_wait3A_79] : memref<8x8x3x512xf32, #tpu.memory_space<hbm>> -> memref<1x1x3x512xf32, #tpu.memory_space<hbm>>
      %dma_wait3A_81 = tpu.memref_squeeze %dma_wait3A_80 : memref<1x1x3x512xf32, #tpu.memory_space<hbm>> -> memref<3x512xf32, #tpu.memory_space<hbm>>
      %dma_wait3A_82 = arith.constant 0 : i32
      %dma_wait3A_83 = arith.constant 0 : i32
      %dma_wait3A_84 = tpu.memref_slice %arg8[%run_scoped3A_45, %dma_wait3A_82, %dma_wait3A_83] : memref<2x3x512xf32, #tpu.memory_space<vmem>> -> memref<1x3x512xf32, #tpu.memory_space<vmem>>
      %dma_wait3A_85 = tpu.memref_squeeze %dma_wait3A_84 : memref<1x3x512xf32, #tpu.memory_space<vmem>> -> memref<3x512xf32, #tpu.memory_space<vmem>>
      %dma_wait3A_86 = arith.constant 0 : i32
      %dma_wait3A_87 = arith.constant 0 : i32
      %dma_wait3A_88 = tpu.memref_slice %arg4[%select_n3A, %add3A_44, %dma_wait3A_86, %dma_wait3A_87] : memref<8x8x3x512xf32, #tpu.memory_space<hbm>> -> memref<1x1x3x512xf32, #tpu.memory_space<hbm>>
      %dma_wait3A_89 = tpu.memref_squeeze %dma_wait3A_88 : memref<1x1x3x512xf32, #tpu.memory_space<hbm>> -> memref<3x512xf32, #tpu.memory_space<hbm>>
      tpu.wait_dma2 semaphore(%run_scoped3A_59 : memref<!tpu.dma_semaphore, #tpu.memory_space<semaphore_mem>>) src(%dma_wait3A_89 : memref<3x512xf32, #tpu.memory_space<hbm>>) dst(%dma_wait3A_85 : memref<3x512xf32, #tpu.memory_space<vmem>>)
      tpu.yield
    }) : () -> ()
    %scan3A = arith.constant 0 : i32
    %scan3A_46 = arith.constant 0 : i32
    %scan3A_47 = arith.constant 32 : i32
    %scan3A_48 = arith.addi %scan3A_46, %scan3A_47 : i32
    %scan3A_49 = arith.constant 1 : i32
    %scan3A_50 = scf.for %scan3A_59 = %scan3A_46 to %scan3A_48 step %scan3A_49 iter_args(%scan3A_60 = %scan3A) -> (i32)  : i32 {
      %mul3A_61 = arith.constant 16 : i32
      %mul3A_62 = arith.muli %scan3A_59, %mul3A_61 : i32
      %get3A = arith.constant 0 : i32
      %get3A_63 = arith.constant 0 : i32
      %get3A_64 = arith.index_cast %get3A : i32 to index
      %get3A_65 = arith.index_cast %get3A_63 : i32 to index
      %get3A_66 = arith.index_cast %mul3A_62 : i32 to index
      %get3A_67 = tpu.vector_load %arg7[%get3A_64, %get3A_65, %get3A_66] {strides = array<i32>} : memref<2x3x512xi32, #tpu.memory_space<vmem>>, vector<16xi32>,
      %get3A_68 = arith.constant 0 : i32
      %get3A_69 = arith.constant 1 : i32
      %get3A_70 = arith.index_cast %get3A_68 : i32 to index
      %get3A_71 = arith.index_cast %get3A_69 : i32 to index
      %get3A_72 = arith.index_cast %mul3A_62 : i32 to index
      %get3A_73 = tpu.vector_load %arg7[%get3A_70, %get3A_71, %get3A_72] {strides = array<i32>} : memref<2x3x512xi32, #tpu.memory_space<vmem>>, vector<16xi32>,
      %get3A_74 = arith.constant 0 : i32
      %get3A_75 = arith.constant 2 : i32
      %get3A_76 = arith.index_cast %get3A_74 : i32 to index
      %get3A_77 = arith.index_cast %get3A_75 : i32 to index
      %get3A_78 = arith.index_cast %mul3A_62 : i32 to index
      %get3A_79 = tpu.vector_load %arg7[%get3A_76, %get3A_77, %get3A_78] {strides = array<i32>} : memref<2x3x512xi32, #tpu.memory_space<vmem>>, vector<16xi32>,
      %get3A_80 = arith.constant 0 : i32
      %get3A_81 = arith.constant 0 : i32
      %get3A_82 = arith.index_cast %get3A_80 : i32 to index
      %get3A_83 = arith.index_cast %get3A_81 : i32 to index
      %get3A_84 = arith.index_cast %mul3A_62 : i32 to index
      %get3A_85 = tpu.vector_load %arg8[%get3A_82, %get3A_83, %get3A_84] {strides = array<i32>} : memref<2x3x512xf32, #tpu.memory_space<vmem>>, vector<16xf32>,
      %get3A_86 = arith.constant 0 : i32
      %get3A_87 = arith.constant 1 : i32
      %get3A_88 = arith.index_cast %get3A_86 : i32 to index
      %get3A_89 = arith.index_cast %get3A_87 : i32 to index
      %get3A_90 = arith.index_cast %mul3A_62 : i32 to index
      %get3A_91 = tpu.vector_load %arg8[%get3A_88, %get3A_89, %get3A_90] {strides = array<i32>} : memref<2x3x512xf32, #tpu.memory_space<vmem>>, vector<16xf32>,
      %get3A_92 = arith.constant 0 : i32
      %get3A_93 = arith.constant 2 : i32
      %get3A_94 = arith.index_cast %get3A_92 : i32 to index
      %get3A_95 = arith.index_cast %get3A_93 : i32 to index
      %get3A_96 = arith.index_cast %mul3A_62 : i32 to index
      %get3A_97 = tpu.vector_load %arg8[%get3A_94, %get3A_95, %get3A_96] {strides = array<i32>} : memref<2x3x512xf32, #tpu.memory_space<vmem>>, vector<16xf32>,
      %add3A_98 = arith.constant 0 : i32
      %add3A_99 = vector.broadcast %add3A_98 : i32 to vector<16xi32>
      %add3A_100 = arith.addi %add3A_99, %get3A_67 : vector<16xi32>
      %gather3A = tpu.vector_load_idx %arg6[%add3A_100] : memref<12288xf32, #tpu.memory_space<vmem>>[vector<16xi32>], vector<16xf32>,
      %add3A_101 = arith.constant 0 : i32
      %add3A_102 = vector.broadcast %add3A_101 : i32 to vector<16xi32>
      %add3A_103 = arith.addi %add3A_102, %get3A_73 : vector<16xi32>
      %gather3A_104 = tpu.vector_load_idx %arg6[%add3A_103] : memref<12288xf32, #tpu.memory_space<vmem>>[vector<16xi32>], vector<16xf32>,
      %add3A_105 = arith.constant 0 : i32
      %add3A_106 = vector.broadcast %add3A_105 : i32 to vector<16xi32>
      %add3A_107 = arith.addi %add3A_106, %get3A_79 : vector<16xi32>
      %gather3A_108 = tpu.vector_load_idx %arg6[%add3A_107] : memref<12288xf32, #tpu.memory_space<vmem>>[vector<16xi32>], vector<16xf32>,
      %mul3A_109 = arith.mulf %get3A_85, %gather3A : vector<16xf32>
      %mul3A_110 = arith.mulf %get3A_91, %gather3A_104 : vector<16xf32>
      %add3A_111 = arith.addf %mul3A_109, %mul3A_110 : vector<16xf32>
      %mul3A_112 = arith.mulf %get3A_97, %gather3A_108 : vector<16xf32>
      %add3A_113 = arith.addf %add3A_111, %mul3A_112 : vector<16xf32>
      %add3A_114 = arith.constant 0 : i32
      %add3A_115 = arith.addi %add3A_114, %mul3A_62 : i32
      %swap3A = arith.constant 0 : i32
      %swap3A_116 = arith.index_cast %swap3A : i32 to index
      %swap3A_117 = arith.index_cast %add3A_115 : i32 to index
      %swap3A_118 = tpu.vector_load %arg9[%swap3A_116, %swap3A_117] {strides = array<i32>} : memref<12x1024xf32, #tpu.memory_space<vmem>>, vector<16xf32>,
      tpu.vector_store %arg9[%swap3A_116, %swap3A_117], %add3A_113 {strides = array<i32>} : memref<12x1024xf32, #tpu.memory_space<vmem>>, vector<16xf32>,
      %add3A_119 = arith.constant 1024 : i32
      %add3A_120 = vector.broadcast %add3A_119 : i32 to vector<16xi32>
      %add3A_121 = arith.addi %add3A_120, %get3A_67 : vector<16xi32>
      %gather3A_122 = tpu.vector_load_idx %arg6[%add3A_121] : memref<12288xf32, #tpu.memory_space<vmem>>[vector<16xi32>], vector<16xf32>,
      %add3A_123 = arith.constant 1024 : i32
      %add3A_124 = vector.broadcast %add3A_123 : i32 to vector<16xi32>
      %add3A_125 = arith.addi %add3A_124, %get3A_73 : vector<16xi32>
      %gather3A_126 = tpu.vector_load_idx %arg6[%add3A_125] : memref<12288xf32, #tpu.memory_space<vmem>>[vector<16xi32>], vector<16xf32>,
      %add3A_127 = arith.constant 1024 : i32
      %add3A_128 = vector.broadcast %add3A_127 : i32 to vector<16xi32>
      %add3A_129 = arith.addi %add3A_128, %get3A_79 : vector<16xi32>
      %gather3A_130 = tpu.vector_load_idx %arg6[%add3A_129] : memref<12288xf32, #tpu.memory_space<vmem>>[vector<16xi32>], vector<16xf32>,
      %mul3A_131 = arith.mulf %get3A_85, %gather3A_122 : vector<16xf32>
      %mul3A_132 = arith.mulf %get3A_91, %gather3A_126 : vector<16xf32>
      %add3A_133 = arith.addf %mul3A_131, %mul3A_132 : vector<16xf32>
      %mul3A_134 = arith.mulf %get3A_97, %gather3A_130 : vector<16xf32>
      %add3A_135 = arith.addf %add3A_133, %mul3A_134 : vector<16xf32>
      %add3A_136 = arith.constant 0 : i32
      %add3A_137 = arith.addi %add3A_136, %mul3A_62 : i32
      %swap3A_138 = arith.constant 1 : i32
      %swap3A_139 = arith.index_cast %swap3A_138 : i32 to index
      %swap3A_140 = arith.index_cast %add3A_137 : i32 to index
      %swap3A_141 = tpu.vector_load %arg9[%swap3A_139, %swap3A_140] {strides = array<i32>} : memref<12x1024xf32, #tpu.memory_space<vmem>>, vector<16xf32>,
      tpu.vector_store %arg9[%swap3A_139, %swap3A_140], %add3A_135 {strides = array<i32>} : memref<12x1024xf32, #tpu.memory_space<vmem>>, vector<16xf32>,
      %add3A_142 = arith.constant 2048 : i32
      %add3A_143 = vector.broadcast %add3A_142 : i32 to vector<16xi32>
      %add3A_144 = arith.addi %add3A_143, %get3A_67 : vector<16xi32>
      %gather3A_145 = tpu.vector_load_idx %arg6[%add3A_144] : memref<12288xf32, #tpu.memory_space<vmem>>[vector<16xi32>], vector<16xf32>,
      %add3A_146 = arith.constant 2048 : i32
      %add3A_147 = vector.broadcast %add3A_146 : i32 to vector<16xi32>
      %add3A_148 = arith.addi %add3A_147, %get3A_73 : vector<16xi32>
      %gather3A_149 = tpu.vector_load_idx %arg6[%add3A_148] : memref<12288xf32, #tpu.memory_space<vmem>>[vector<16xi32>], vector<16xf32>,
      %add3A_150 = arith.constant 2048 : i32
      %add3A_151 = vector.broadcast %add3A_150 : i32 to vector<16xi32>
      %add3A_152 = arith.addi %add3A_151, %get3A_79 : vector<16xi32>
      %gather3A_153 = tpu.vector_load_idx %arg6[%add3A_152] : memref<12288xf32, #tpu.memory_space<vmem>>[vector<16xi32>], vector<16xf32>,
      %mul3A_154 = arith.mulf %get3A_85, %gather3A_145 : vector<16xf32>
      %mul3A_155 = arith.mulf %get3A_91, %gather3A_149 : vector<16xf32>
      %add3A_156 = arith.addf %mul3A_154, %mul3A_155 : vector<16xf32>
      %mul3A_157 = arith.mulf %get3A_97, %gather3A_153 : vector<16xf32>
      %add3A_158 = arith.addf %add3A_156, %mul3A_157 : vector<16xf32>
      %add3A_159 = arith.constant 0 : i32
      %add3A_160 = arith.addi %add3A_159, %mul3A_62 : i32
      %swap3A_161 = arith.constant 2 : i32
      %swap3A_162 = arith.index_cast %swap3A_161 : i32 to index
      %swap3A_163 = arith.index_cast %add3A_160 : i32 to index
      %swap3A_164 = tpu.vector_load %arg9[%swap3A_162, %swap3A_163] {strides = array<i32>} : memref<12x1024xf32, #tpu.memory_space<vmem>>, vector<16xf32>,
      tpu.vector_store %arg9[%swap3A_162, %swap3A_163], %add3A_158 {strides = array<i32>} : memref<12x1024xf32, #tpu.memory_space<vmem>>, vector<16xf32>,
      %add3A_165 = arith.constant 3072 : i32
      %add3A_166 = vector.broadcast %add3A_165 : i32 to vector<16xi32>
      %add3A_167 = arith.addi %add3A_166, %get3A_67 : vector<16xi32>
      %gather3A_168 = tpu.vector_load_idx %arg6[%add3A_167] : memref<12288xf32, #tpu.memory_space<vmem>>[vector<16xi32>], vector<16xf32>,
      %add3A_169 = arith.constant 3072 : i32
      %add3A_170 = vector.broadcast %add3A_169 : i32 to vector<16xi32>
      %add3A_171 = arith.addi %add3A_170, %get3A_73 : vector<16xi32>
      %gather3A_172 = tpu.vector_load_idx %arg6[%add3A_171] : memref<12288xf32, #tpu.memory_space<vmem>>[vector<16xi32>], vector<16xf32>,
      %add3A_173 = arith.constant 3072 : i32
      %add3A_174 = vector.broadcast %add3A_173 : i32 to vector<16xi32>
      %add3A_175 = arith.addi %add3A_174, %get3A_79 : vector<16xi32>
      %gather3A_176 = tpu.vector_load_idx %arg6[%add3A_175] : memref<12288xf32, #tpu.memory_space<vmem>>[vector<16xi32>], vector<16xf32>,
      %mul3A_177 = arith.mulf %get3A_85, %gather3A_168 : vector<16xf32>
      %mul3A_178 = arith.mulf %get3A_91, %gather3A_172 : vector<16xf32>
      %add3A_179 = arith.addf %mul3A_177, %mul3A_178 : vector<16xf32>
      %mul3A_180 = arith.mulf %get3A_97, %gather3A_176 : vector<16xf32>
      %add3A_181 = arith.addf %add3A_179, %mul3A_180 : vector<16xf32>
      %add3A_182 = arith.constant 0 : i32
      %add3A_183 = arith.addi %add3A_182, %mul3A_62 : i32
      %swap3A_184 = arith.constant 3 : i32
      %swap3A_185 = arith.index_cast %swap3A_184 : i32 to index
      %swap3A_186 = arith.index_cast %add3A_183 : i32 to index
      %swap3A_187 = tpu.vector_load %arg9[%swap3A_185, %swap3A_186] {strides = array<i32>} : memref<12x1024xf32, #tpu.memory_space<vmem>>, vector<16xf32>,
      tpu.vector_store %arg9[%swap3A_185, %swap3A_186], %add3A_181 {strides = array<i32>} : memref<12x1024xf32, #tpu.memory_space<vmem>>, vector<16xf32>,
      %add3A_188 = arith.constant 4096 : i32
      %add3A_189 = vector.broadcast %add3A_188 : i32 to vector<16xi32>
      %add3A_190 = arith.addi %add3A_189, %get3A_67 : vector<16xi32>
      %gather3A_191 = tpu.vector_load_idx %arg6[%add3A_190] : memref<12288xf32, #tpu.memory_space<vmem>>[vector<16xi32>], vector<16xf32>,
      %add3A_192 = arith.constant 4096 : i32
      %add3A_193 = vector.broadcast %add3A_192 : i32 to vector<16xi32>
      %add3A_194 = arith.addi %add3A_193, %get3A_73 : vector<16xi32>
      %gather3A_195 = tpu.vector_load_idx %arg6[%add3A_194] : memref<12288xf32, #tpu.memory_space<vmem>>[vector<16xi32>], vector<16xf32>,
      %add3A_196 = arith.constant 4096 : i32
      %add3A_197 = vector.broadcast %add3A_196 : i32 to vector<16xi32>
      %add3A_198 = arith.addi %add3A_197, %get3A_79 : vector<16xi32>
      %gather3A_199 = tpu.vector_load_idx %arg6[%add3A_198] : memref<12288xf32, #tpu.memory_space<vmem>>[vector<16xi32>], vector<16xf32>,
      %mul3A_200 = arith.mulf %get3A_85, %gather3A_191 : vector<16xf32>
      %mul3A_201 = arith.mulf %get3A_91, %gather3A_195 : vector<16xf32>
      %add3A_202 = arith.addf %mul3A_200, %mul3A_201 : vector<16xf32>
      %mul3A_203 = arith.mulf %get3A_97, %gather3A_199 : vector<16xf32>
      %add3A_204 = arith.addf %add3A_202, %mul3A_203 : vector<16xf32>
      %add3A_205 = arith.constant 0 : i32
      %add3A_206 = arith.addi %add3A_205, %mul3A_62 : i32
      %swap3A_207 = arith.constant 4 : i32
      %swap3A_208 = arith.index_cast %swap3A_207 : i32 to index
      %swap3A_209 = arith.index_cast %add3A_206 : i32 to index
      %swap3A_210 = tpu.vector_load %arg9[%swap3A_208, %swap3A_209] {strides = array<i32>} : memref<12x1024xf32, #tpu.memory_space<vmem>>, vector<16xf32>,
      tpu.vector_store %arg9[%swap3A_208, %swap3A_209], %add3A_204 {strides = array<i32>} : memref<12x1024xf32, #tpu.memory_space<vmem>>, vector<16xf32>,
      %add3A_211 = arith.constant 5120 : i32
      %add3A_212 = vector.broadcast %add3A_211 : i32 to vector<16xi32>
      %add3A_213 = arith.addi %add3A_212, %get3A_67 : vector<16xi32>
      %gather3A_214 = tpu.vector_load_idx %arg6[%add3A_213] : memref<12288xf32, #tpu.memory_space<vmem>>[vector<16xi32>], vector<16xf32>,
      %add3A_215 = arith.constant 5120 : i32
      %add3A_216 = vector.broadcast %add3A_215 : i32 to vector<16xi32>
      %add3A_217 = arith.addi %add3A_216, %get3A_73 : vector<16xi32>
      %gather3A_218 = tpu.vector_load_idx %arg6[%add3A_217] : memref<12288xf32, #tpu.memory_space<vmem>>[vector<16xi32>], vector<16xf32>,
      %add3A_219 = arith.constant 5120 : i32
      %add3A_220 = vector.broadcast %add3A_219 : i32 to vector<16xi32>
      %add3A_221 = arith.addi %add3A_220, %get3A_79 : vector<16xi32>
      %gather3A_222 = tpu.vector_load_idx %arg6[%add3A_221] : memref<12288xf32, #tpu.memory_space<vmem>>[vector<16xi32>], vector<16xf32>,
      %mul3A_223 = arith.mulf %get3A_85, %gather3A_214 : vector<16xf32>
      %mul3A_224 = arith.mulf %get3A_91, %gather3A_218 : vector<16xf32>
      %add3A_225 = arith.addf %mul3A_223, %mul3A_224 : vector<16xf32>
      %mul3A_226 = arith.mulf %get3A_97, %gather3A_222 : vector<16xf32>
      %add3A_227 = arith.addf %add3A_225, %mul3A_226 : vector<16xf32>
      %add3A_228 = arith.constant 0 : i32
      %add3A_229 = arith.addi %add3A_228, %mul3A_62 : i32
      %swap3A_230 = arith.constant 5 : i32
      %swap3A_231 = arith.index_cast %swap3A_230 : i32 to index
      %swap3A_232 = arith.index_cast %add3A_229 : i32 to index
      %swap3A_233 = tpu.vector_load %arg9[%swap3A_231, %swap3A_232] {strides = array<i32>} : memref<12x1024xf32, #tpu.memory_space<vmem>>, vector<16xf32>,
      tpu.vector_store %arg9[%swap3A_231, %swap3A_232], %add3A_227 {strides = array<i32>} : memref<12x1024xf32, #tpu.memory_space<vmem>>, vector<16xf32>,
      %add3A_234 = arith.constant 6144 : i32
      %add3A_235 = vector.broadcast %add3A_234 : i32 to vector<16xi32>
      %add3A_236 = arith.addi %add3A_235, %get3A_67 : vector<16xi32>
      %gather3A_237 = tpu.vector_load_idx %arg6[%add3A_236] : memref<12288xf32, #tpu.memory_space<vmem>>[vector<16xi32>], vector<16xf32>,
      %add3A_238 = arith.constant 6144 : i32
      %add3A_239 = vector.broadcast %add3A_238 : i32 to vector<16xi32>
      %add3A_240 = arith.addi %add3A_239, %get3A_73 : vector<16xi32>
      %gather3A_241 = tpu.vector_load_idx %arg6[%add3A_240] : memref<12288xf32, #tpu.memory_space<vmem>>[vector<16xi32>], vector<16xf32>,
      %add3A_242 = arith.constant 6144 : i32
      %add3A_243 = vector.broadcast %add3A_242 : i32 to vector<16xi32>
      %add3A_244 = arith.addi %add3A_243, %get3A_79 : vector<16xi32>
      %gather3A_245 = tpu.vector_load_idx %arg6[%add3A_244] : memref<12288xf32, #tpu.memory_space<vmem>>[vector<16xi32>], vector<16xf32>,
      %mul3A_246 = arith.mulf %get3A_85, %gather3A_237 : vector<16xf32>
      %mul3A_247 = arith.mulf %get3A_91, %gather3A_241 : vector<16xf32>
      %add3A_248 = arith.addf %mul3A_246, %mul3A_247 : vector<16xf32>
      %mul3A_249 = arith.mulf %get3A_97, %gather3A_245 : vector<16xf32>
      %add3A_250 = arith.addf %add3A_248, %mul3A_249 : vector<16xf32>
      %add3A_251 = arith.constant 0 : i32
      %add3A_252 = arith.addi %add3A_251, %mul3A_62 : i32
      %swap3A_253 = arith.constant 6 : i32
      %swap3A_254 = arith.index_cast %swap3A_253 : i32 to index
      %swap3A_255 = arith.index_cast %add3A_252 : i32 to index
      %swap3A_256 = tpu.vector_load %arg9[%swap3A_254, %swap3A_255] {strides = array<i32>} : memref<12x1024xf32, #tpu.memory_space<vmem>>, vector<16xf32>,
      tpu.vector_store %arg9[%swap3A_254, %swap3A_255], %add3A_250 {strides = array<i32>} : memref<12x1024xf32, #tpu.memory_space<vmem>>, vector<16xf32>,
      %add3A_257 = arith.constant 7168 : i32
      %add3A_258 = vector.broadcast %add3A_257 : i32 to vector<16xi32>
      %add3A_259 = arith.addi %add3A_258, %get3A_67 : vector<16xi32>
      %gather3A_260 = tpu.vector_load_idx %arg6[%add3A_259] : memref<12288xf32, #tpu.memory_space<vmem>>[vector<16xi32>], vector<16xf32>,
      %add3A_261 = arith.constant 7168 : i32
      %add3A_262 = vector.broadcast %add3A_261 : i32 to vector<16xi32>
      %add3A_263 = arith.addi %add3A_262, %get3A_73 : vector<16xi32>
      %gather3A_264 = tpu.vector_load_idx %arg6[%add3A_263] : memref<12288xf32, #tpu.memory_space<vmem>>[vector<16xi32>], vector<16xf32>,
      %add3A_265 = arith.constant 7168 : i32
      %add3A_266 = vector.broadcast %add3A_265 : i32 to vector<16xi32>
      %add3A_267 = arith.addi %add3A_266, %get3A_79 : vector<16xi32>
      %gather3A_268 = tpu.vector_load_idx %arg6[%add3A_267] : memref<12288xf32, #tpu.memory_space<vmem>>[vector<16xi32>], vector<16xf32>,
      %mul3A_269 = arith.mulf %get3A_85, %gather3A_260 : vector<16xf32>
      %mul3A_270 = arith.mulf %get3A_91, %gather3A_264 : vector<16xf32>
      %add3A_271 = arith.addf %mul3A_269, %mul3A_270 : vector<16xf32>
      %mul3A_272 = arith.mulf %get3A_97, %gather3A_268 : vector<16xf32>
      %add3A_273 = arith.addf %add3A_271, %mul3A_272 : vector<16xf32>
      %add3A_274 = arith.constant 0 : i32
      %add3A_275 = arith.addi %add3A_274, %mul3A_62 : i32
      %swap3A_276 = arith.constant 7 : i32
      %swap3A_277 = arith.index_cast %swap3A_276 : i32 to index
      %swap3A_278 = arith.index_cast %add3A_275 : i32 to index
      %swap3A_279 = tpu.vector_load %arg9[%swap3A_277, %swap3A_278] {strides = array<i32>} : memref<12x1024xf32, #tpu.memory_space<vmem>>, vector<16xf32>,
      tpu.vector_store %arg9[%swap3A_277, %swap3A_278], %add3A_273 {strides = array<i32>} : memref<12x1024xf32, #tpu.memory_space<vmem>>, vector<16xf32>,
      %add3A_280 = arith.constant 8192 : i32
      %add3A_281 = vector.broadcast %add3A_280 : i32 to vector<16xi32>
      %add3A_282 = arith.addi %add3A_281, %get3A_67 : vector<16xi32>
      %gather3A_283 = tpu.vector_load_idx %arg6[%add3A_282] : memref<12288xf32, #tpu.memory_space<vmem>>[vector<16xi32>], vector<16xf32>,
      %add3A_284 = arith.constant 8192 : i32
      %add3A_285 = vector.broadcast %add3A_284 : i32 to vector<16xi32>
      %add3A_286 = arith.addi %add3A_285, %get3A_73 : vector<16xi32>
      %gather3A_287 = tpu.vector_load_idx %arg6[%add3A_286] : memref<12288xf32, #tpu.memory_space<vmem>>[vector<16xi32>], vector<16xf32>,
      %add3A_288 = arith.constant 8192 : i32
      %add3A_289 = vector.broadcast %add3A_288 : i32 to vector<16xi32>
      %add3A_290 = arith.addi %add3A_289, %get3A_79 : vector<16xi32>
      %gather3A_291 = tpu.vector_load_idx %arg6[%add3A_290] : memref<12288xf32, #tpu.memory_space<vmem>>[vector<16xi32>], vector<16xf32>,
      %mul3A_292 = arith.mulf %get3A_85, %gather3A_283 : vector<16xf32>
      %mul3A_293 = arith.mulf %get3A_91, %gather3A_287 : vector<16xf32>
      %add3A_294 = arith.addf %mul3A_292, %mul3A_293 : vector<16xf32>
      %mul3A_295 = arith.mulf %get3A_97, %gather3A_291 : vector<16xf32>
      %add3A_296 = arith.addf %add3A_294, %mul3A_295 : vector<16xf32>
      %add3A_297 = arith.constant 0 : i32
      %add3A_298 = arith.addi %add3A_297, %mul3A_62 : i32
      %swap3A_299 = arith.constant 8 : i32
      %swap3A_300 = arith.index_cast %swap3A_299 : i32 to index
      %swap3A_301 = arith.index_cast %add3A_298 : i32 to index
      %swap3A_302 = tpu.vector_load %arg9[%swap3A_300, %swap3A_301] {strides = array<i32>} : memref<12x1024xf32, #tpu.memory_space<vmem>>, vector<16xf32>,
      tpu.vector_store %arg9[%swap3A_300, %swap3A_301], %add3A_296 {strides = array<i32>} : memref<12x1024xf32, #tpu.memory_space<vmem>>, vector<16xf32>,
      %add3A_303 = arith.constant 9216 : i32
      %add3A_304 = vector.broadcast %add3A_303 : i32 to vector<16xi32>
      %add3A_305 = arith.addi %add3A_304, %get3A_67 : vector<16xi32>
      %gather3A_306 = tpu.vector_load_idx %arg6[%add3A_305] : memref<12288xf32, #tpu.memory_space<vmem>>[vector<16xi32>], vector<16xf32>,
      %add3A_307 = arith.constant 9216 : i32
      %add3A_308 = vector.broadcast %add3A_307 : i32 to vector<16xi32>
      %add3A_309 = arith.addi %add3A_308, %get3A_73 : vector<16xi32>
      %gather3A_310 = tpu.vector_load_idx %arg6[%add3A_309] : memref<12288xf32, #tpu.memory_space<vmem>>[vector<16xi32>], vector<16xf32>,
      %add3A_311 = arith.constant 9216 : i32
      %add3A_312 = vector.broadcast %add3A_311 : i32 to vector<16xi32>
      %add3A_313 = arith.addi %add3A_312, %get3A_79 : vector<16xi32>
      %gather3A_314 = tpu.vector_load_idx %arg6[%add3A_313] : memref<12288xf32, #tpu.memory_space<vmem>>[vector<16xi32>], vector<16xf32>,
      %mul3A_315 = arith.mulf %get3A_85, %gather3A_306 : vector<16xf32>
      %mul3A_316 = arith.mulf %get3A_91, %gather3A_310 : vector<16xf32>
      %add3A_317 = arith.addf %mul3A_315, %mul3A_316 : vector<16xf32>
      %mul3A_318 = arith.mulf %get3A_97, %gather3A_314 : vector<16xf32>
      %add3A_319 = arith.addf %add3A_317, %mul3A_318 : vector<16xf32>
      %add3A_320 = arith.constant 0 : i32
      %add3A_321 = arith.addi %add3A_320, %mul3A_62 : i32
      %swap3A_322 = arith.constant 9 : i32
      %swap3A_323 = arith.index_cast %swap3A_322 : i32 to index
      %swap3A_324 = arith.index_cast %add3A_321 : i32 to index
      %swap3A_325 = tpu.vector_load %arg9[%swap3A_323, %swap3A_324] {strides = array<i32>} : memref<12x1024xf32, #tpu.memory_space<vmem>>, vector<16xf32>,
      tpu.vector_store %arg9[%swap3A_323, %swap3A_324], %add3A_319 {strides = array<i32>} : memref<12x1024xf32, #tpu.memory_space<vmem>>, vector<16xf32>,
      %add3A_326 = arith.constant 10240 : i32
      %add3A_327 = vector.broadcast %add3A_326 : i32 to vector<16xi32>
      %add3A_328 = arith.addi %add3A_327, %get3A_67 : vector<16xi32>
      %gather3A_329 = tpu.vector_load_idx %arg6[%add3A_328] : memref<12288xf32, #tpu.memory_space<vmem>>[vector<16xi32>], vector<16xf32>,
      %add3A_330 = arith.constant 10240 : i32
      %add3A_331 = vector.broadcast %add3A_330 : i32 to vector<16xi32>
      %add3A_332 = arith.addi %add3A_331, %get3A_73 : vector<16xi32>
      %gather3A_333 = tpu.vector_load_idx %arg6[%add3A_332] : memref<12288xf32, #tpu.memory_space<vmem>>[vector<16xi32>], vector<16xf32>,
      %add3A_334 = arith.constant 10240 : i32
      %add3A_335 = vector.broadcast %add3A_334 : i32 to vector<16xi32>
      %add3A_336 = arith.addi %add3A_335, %get3A_79 : vector<16xi32>
      %gather3A_337 = tpu.vector_load_idx %arg6[%add3A_336] : memref<12288xf32, #tpu.memory_space<vmem>>[vector<16xi32>], vector<16xf32>,
      %mul3A_338 = arith.mulf %get3A_85, %gather3A_329 : vector<16xf32>
      %mul3A_339 = arith.mulf %get3A_91, %gather3A_333 : vector<16xf32>
      %add3A_340 = arith.addf %mul3A_338, %mul3A_339 : vector<16xf32>
      %mul3A_341 = arith.mulf %get3A_97, %gather3A_337 : vector<16xf32>
      %add3A_342 = arith.addf %add3A_340, %mul3A_341 : vector<16xf32>
      %add3A_343 = arith.constant 0 : i32
      %add3A_344 = arith.addi %add3A_343, %mul3A_62 : i32
      %swap3A_345 = arith.constant 10 : i32
      %swap3A_346 = arith.index_cast %swap3A_345 : i32 to index
      %swap3A_347 = arith.index_cast %add3A_344 : i32 to index
      %swap3A_348 = tpu.vector_load %arg9[%swap3A_346, %swap3A_347] {strides = array<i32>} : memref<12x1024xf32, #tpu.memory_space<vmem>>, vector<16xf32>,
      tpu.vector_store %arg9[%swap3A_346, %swap3A_347], %add3A_342 {strides = array<i32>} : memref<12x1024xf32, #tpu.memory_space<vmem>>, vector<16xf32>,
      %add3A_349 = arith.constant 11264 : i32
      %add3A_350 = vector.broadcast %add3A_349 : i32 to vector<16xi32>
      %add3A_351 = arith.addi %add3A_350, %get3A_67 : vector<16xi32>
      %gather3A_352 = tpu.vector_load_idx %arg6[%add3A_351] : memref<12288xf32, #tpu.memory_space<vmem>>[vector<16xi32>], vector<16xf32>,
      %add3A_353 = arith.constant 11264 : i32
      %add3A_354 = vector.broadcast %add3A_353 : i32 to vector<16xi32>
      %add3A_355 = arith.addi %add3A_354, %get3A_73 : vector<16xi32>
      %gather3A_356 = tpu.vector_load_idx %arg6[%add3A_355] : memref<12288xf32, #tpu.memory_space<vmem>>[vector<16xi32>], vector<16xf32>,
      %add3A_357 = arith.constant 11264 : i32
      %add3A_358 = vector.broadcast %add3A_357 : i32 to vector<16xi32>
      %add3A_359 = arith.addi %add3A_358, %get3A_79 : vector<16xi32>
      %gather3A_360 = tpu.vector_load_idx %arg6[%add3A_359] : memref<12288xf32, #tpu.memory_space<vmem>>[vector<16xi32>], vector<16xf32>,
      %mul3A_361 = arith.mulf %get3A_85, %gather3A_352 : vector<16xf32>
      %mul3A_362 = arith.mulf %get3A_91, %gather3A_356 : vector<16xf32>
      %add3A_363 = arith.addf %mul3A_361, %mul3A_362 : vector<16xf32>
      %mul3A_364 = arith.mulf %get3A_97, %gather3A_360 : vector<16xf32>
      %add3A_365 = arith.addf %add3A_363, %mul3A_364 : vector<16xf32>
      %add3A_366 = arith.constant 0 : i32
      %add3A_367 = arith.addi %add3A_366, %mul3A_62 : i32
      %swap3A_368 = arith.constant 11 : i32
      %swap3A_369 = arith.index_cast %swap3A_368 : i32 to index
      %swap3A_370 = arith.index_cast %add3A_367 : i32 to index
      %swap3A_371 = tpu.vector_load %arg9[%swap3A_369, %swap3A_370] {strides = array<i32>} : memref<12x1024xf32, #tpu.memory_space<vmem>>, vector<16xf32>,
      tpu.vector_store %arg9[%swap3A_369, %swap3A_370], %add3A_365 {strides = array<i32>} : memref<12x1024xf32, #tpu.memory_space<vmem>>, vector<16xf32>,
      %scan3A_372 = arith.constant 0 : i32
      scf.yield %scan3A_372 : i32
    }
    %scan3A_51 = arith.constant 32 : i32
    %scan3A_52 = arith.constant 0 : i32
    %scan3A_53 = arith.constant 0 : i32
    %scan3A_54 = arith.constant 32 : i32
    %scan3A_55 = arith.addi %scan3A_53, %scan3A_54 : i32
    %scan3A_56 = arith.constant 1 : i32
    %scan3A_57 = scf.for %scan3A_59 = %scan3A_53 to %scan3A_55 step %scan3A_56 iter_args(%scan3A_60 = %scan3A_52) -> (i32)  : i32 {
      %mul3A_61 = arith.constant 16 : i32
      %mul3A_62 = arith.muli %scan3A_59, %mul3A_61 : i32
      %get3A = arith.constant 1 : i32
      %get3A_63 = arith.constant 0 : i32
      %get3A_64 = arith.index_cast %get3A : i32 to index
      %get3A_65 = arith.index_cast %get3A_63 : i32 to index
      %get3A_66 = arith.index_cast %mul3A_62 : i32 to index
      %get3A_67 = tpu.vector_load %arg7[%get3A_64, %get3A_65, %get3A_66] {strides = array<i32>} : memref<2x3x512xi32, #tpu.memory_space<vmem>>, vector<16xi32>,
      %get3A_68 = arith.constant 1 : i32
      %get3A_69 = arith.constant 1 : i32
      %get3A_70 = arith.index_cast %get3A_68 : i32 to index
      %get3A_71 = arith.index_cast %get3A_69 : i32 to index
      %get3A_72 = arith.index_cast %mul3A_62 : i32 to index
      %get3A_73 = tpu.vector_load %arg7[%get3A_70, %get3A_71, %get3A_72] {strides = array<i32>} : memref<2x3x512xi32, #tpu.memory_space<vmem>>, vector<16xi32>,
      %get3A_74 = arith.constant 1 : i32
      %get3A_75 = arith.constant 2 : i32
      %get3A_76 = arith.index_cast %get3A_74 : i32 to index
      %get3A_77 = arith.index_cast %get3A_75 : i32 to index
      %get3A_78 = arith.index_cast %mul3A_62 : i32 to index
      %get3A_79 = tpu.vector_load %arg7[%get3A_76, %get3A_77, %get3A_78] {strides = array<i32>} : memref<2x3x512xi32, #tpu.memory_space<vmem>>, vector<16xi32>,
      %get3A_80 = arith.constant 1 : i32
      %get3A_81 = arith.constant 0 : i32
      %get3A_82 = arith.index_cast %get3A_80 : i32 to index
      %get3A_83 = arith.index_cast %get3A_81 : i32 to index
      %get3A_84 = arith.index_cast %mul3A_62 : i32 to index
      %get3A_85 = tpu.vector_load %arg8[%get3A_82, %get3A_83, %get3A_84] {strides = array<i32>} : memref<2x3x512xf32, #tpu.memory_space<vmem>>, vector<16xf32>,
      %get3A_86 = arith.constant 1 : i32
      %get3A_87 = arith.constant 1 : i32
      %get3A_88 = arith.index_cast %get3A_86 : i32 to index
      %get3A_89 = arith.index_cast %get3A_87 : i32 to index
      %get3A_90 = arith.index_cast %mul3A_62 : i32 to index
      %get3A_91 = tpu.vector_load %arg8[%get3A_88, %get3A_89, %get3A_90] {strides = array<i32>} : memref<2x3x512xf32, #tpu.memory_space<vmem>>, vector<16xf32>,
      %get3A_92 = arith.constant 1 : i32
      %get3A_93 = arith.constant 2 : i32
      %get3A_94 = arith.index_cast %get3A_92 : i32 to index
      %get3A_95 = arith.index_cast %get3A_93 : i32 to index
      %get3A_96 = arith.index_cast %mul3A_62 : i32 to index
      %get3A_97 = tpu.vector_load %arg8[%get3A_94, %get3A_95, %get3A_96] {strides = array<i32>} : memref<2x3x512xf32, #tpu.memory_space<vmem>>, vector<16xf32>,
      %add3A_98 = arith.constant 0 : i32
      %add3A_99 = vector.broadcast %add3A_98 : i32 to vector<16xi32>
      %add3A_100 = arith.addi %add3A_99, %get3A_67 : vector<16xi32>
      %gather3A = tpu.vector_load_idx %arg6[%add3A_100] : memref<12288xf32, #tpu.memory_space<vmem>>[vector<16xi32>], vector<16xf32>,
      %add3A_101 = arith.constant 0 : i32
      %add3A_102 = vector.broadcast %add3A_101 : i32 to vector<16xi32>
      %add3A_103 = arith.addi %add3A_102, %get3A_73 : vector<16xi32>
      %gather3A_104 = tpu.vector_load_idx %arg6[%add3A_103] : memref<12288xf32, #tpu.memory_space<vmem>>[vector<16xi32>], vector<16xf32>,
      %add3A_105 = arith.constant 0 : i32
      %add3A_106 = vector.broadcast %add3A_105 : i32 to vector<16xi32>
      %add3A_107 = arith.addi %add3A_106, %get3A_79 : vector<16xi32>
      %gather3A_108 = tpu.vector_load_idx %arg6[%add3A_107] : memref<12288xf32, #tpu.memory_space<vmem>>[vector<16xi32>], vector<16xf32>,
      %mul3A_109 = arith.mulf %get3A_85, %gather3A : vector<16xf32>
      %mul3A_110 = arith.mulf %get3A_91, %gather3A_104 : vector<16xf32>
      %add3A_111 = arith.addf %mul3A_109, %mul3A_110 : vector<16xf32>
      %mul3A_112 = arith.mulf %get3A_97, %gather3A_108 : vector<16xf32>
      %add3A_113 = arith.addf %add3A_111, %mul3A_112 : vector<16xf32>
      %add3A_114 = arith.constant 512 : i32
      %add3A_115 = arith.addi %add3A_114, %mul3A_62 : i32
      %swap3A = arith.constant 0 : i32
      %swap3A_116 = arith.index_cast %swap3A : i32 to index
      %swap3A_117 = arith.index_cast %add3A_115 : i32 to index
      %swap3A_118 = tpu.vector_load %arg9[%swap3A_116, %swap3A_117] {strides = array<i32>} : memref<12x1024xf32, #tpu.memory_space<vmem>>, vector<16xf32>,
      tpu.vector_store %arg9[%swap3A_116, %swap3A_117], %add3A_113 {strides = array<i32>} : memref<12x1024xf32, #tpu.memory_space<vmem>>, vector<16xf32>,
      %add3A_119 = arith.constant 1024 : i32
      %add3A_120 = vector.broadcast %add3A_119 : i32 to vector<16xi32>
      %add3A_121 = arith.addi %add3A_120, %get3A_67 : vector<16xi32>
      %gather3A_122 = tpu.vector_load_idx %arg6[%add3A_121] : memref<12288xf32, #tpu.memory_space<vmem>>[vector<16xi32>], vector<16xf32>,
      %add3A_123 = arith.constant 1024 : i32
      %add3A_124 = vector.broadcast %add3A_123 : i32 to vector<16xi32>
      %add3A_125 = arith.addi %add3A_124, %get3A_73 : vector<16xi32>
      %gather3A_126 = tpu.vector_load_idx %arg6[%add3A_125] : memref<12288xf32, #tpu.memory_space<vmem>>[vector<16xi32>], vector<16xf32>,
      %add3A_127 = arith.constant 1024 : i32
      %add3A_128 = vector.broadcast %add3A_127 : i32 to vector<16xi32>
      %add3A_129 = arith.addi %add3A_128, %get3A_79 : vector<16xi32>
      %gather3A_130 = tpu.vector_load_idx %arg6[%add3A_129] : memref<12288xf32, #tpu.memory_space<vmem>>[vector<16xi32>], vector<16xf32>,
      %mul3A_131 = arith.mulf %get3A_85, %gather3A_122 : vector<16xf32>
      %mul3A_132 = arith.mulf %get3A_91, %gather3A_126 : vector<16xf32>
      %add3A_133 = arith.addf %mul3A_131, %mul3A_132 : vector<16xf32>
      %mul3A_134 = arith.mulf %get3A_97, %gather3A_130 : vector<16xf32>
      %add3A_135 = arith.addf %add3A_133, %mul3A_134 : vector<16xf32>
      %add3A_136 = arith.constant 512 : i32
      %add3A_137 = arith.addi %add3A_136, %mul3A_62 : i32
      %swap3A_138 = arith.constant 1 : i32
      %swap3A_139 = arith.index_cast %swap3A_138 : i32 to index
      %swap3A_140 = arith.index_cast %add3A_137 : i32 to index
      %swap3A_141 = tpu.vector_load %arg9[%swap3A_139, %swap3A_140] {strides = array<i32>} : memref<12x1024xf32, #tpu.memory_space<vmem>>, vector<16xf32>,
      tpu.vector_store %arg9[%swap3A_139, %swap3A_140], %add3A_135 {strides = array<i32>} : memref<12x1024xf32, #tpu.memory_space<vmem>>, vector<16xf32>,
      %add3A_142 = arith.constant 2048 : i32
      %add3A_143 = vector.broadcast %add3A_142 : i32 to vector<16xi32>
      %add3A_144 = arith.addi %add3A_143, %get3A_67 : vector<16xi32>
      %gather3A_145 = tpu.vector_load_idx %arg6[%add3A_144] : memref<12288xf32, #tpu.memory_space<vmem>>[vector<16xi32>], vector<16xf32>,
      %add3A_146 = arith.constant 2048 : i32
      %add3A_147 = vector.broadcast %add3A_146 : i32 to vector<16xi32>
      %add3A_148 = arith.addi %add3A_147, %get3A_73 : vector<16xi32>
      %gather3A_149 = tpu.vector_load_idx %arg6[%add3A_148] : memref<12288xf32, #tpu.memory_space<vmem>>[vector<16xi32>], vector<16xf32>,
      %add3A_150 = arith.constant 2048 : i32
      %add3A_151 = vector.broadcast %add3A_150 : i32 to vector<16xi32>
      %add3A_152 = arith.addi %add3A_151, %get3A_79 : vector<16xi32>
      %gather3A_153 = tpu.vector_load_idx %arg6[%add3A_152] : memref<12288xf32, #tpu.memory_space<vmem>>[vector<16xi32>], vector<16xf32>,
      %mul3A_154 = arith.mulf %get3A_85, %gather3A_145 : vector<16xf32>
      %mul3A_155 = arith.mulf %get3A_91, %gather3A_149 : vector<16xf32>
      %add3A_156 = arith.addf %mul3A_154, %mul3A_155 : vector<16xf32>
      %mul3A_157 = arith.mulf %get3A_97, %gather3A_153 : vector<16xf32>
      %add3A_158 = arith.addf %add3A_156, %mul3A_157 : vector<16xf32>
      %add3A_159 = arith.constant 512 : i32
      %add3A_160 = arith.addi %add3A_159, %mul3A_62 : i32
      %swap3A_161 = arith.constant 2 : i32
      %swap3A_162 = arith.index_cast %swap3A_161 : i32 to index
      %swap3A_163 = arith.index_cast %add3A_160 : i32 to index
      %swap3A_164 = tpu.vector_load %arg9[%swap3A_162, %swap3A_163] {strides = array<i32>} : memref<12x1024xf32, #tpu.memory_space<vmem>>, vector<16xf32>,
      tpu.vector_store %arg9[%swap3A_162, %swap3A_163], %add3A_158 {strides = array<i32>} : memref<12x1024xf32, #tpu.memory_space<vmem>>, vector<16xf32>,
      %add3A_165 = arith.constant 3072 : i32
      %add3A_166 = vector.broadcast %add3A_165 : i32 to vector<16xi32>
      %add3A_167 = arith.addi %add3A_166, %get3A_67 : vector<16xi32>
      %gather3A_168 = tpu.vector_load_idx %arg6[%add3A_167] : memref<12288xf32, #tpu.memory_space<vmem>>[vector<16xi32>], vector<16xf32>,
      %add3A_169 = arith.constant 3072 : i32
      %add3A_170 = vector.broadcast %add3A_169 : i32 to vector<16xi32>
      %add3A_171 = arith.addi %add3A_170, %get3A_73 : vector<16xi32>
      %gather3A_172 = tpu.vector_load_idx %arg6[%add3A_171] : memref<12288xf32, #tpu.memory_space<vmem>>[vector<16xi32>], vector<16xf32>,
      %add3A_173 = arith.constant 3072 : i32
      %add3A_174 = vector.broadcast %add3A_173 : i32 to vector<16xi32>
      %add3A_175 = arith.addi %add3A_174, %get3A_79 : vector<16xi32>
      %gather3A_176 = tpu.vector_load_idx %arg6[%add3A_175] : memref<12288xf32, #tpu.memory_space<vmem>>[vector<16xi32>], vector<16xf32>,
      %mul3A_177 = arith.mulf %get3A_85, %gather3A_168 : vector<16xf32>
      %mul3A_178 = arith.mulf %get3A_91, %gather3A_172 : vector<16xf32>
      %add3A_179 = arith.addf %mul3A_177, %mul3A_178 : vector<16xf32>
      %mul3A_180 = arith.mulf %get3A_97, %gather3A_176 : vector<16xf32>
      %add3A_181 = arith.addf %add3A_179, %mul3A_180 : vector<16xf32>
      %add3A_182 = arith.constant 512 : i32
      %add3A_183 = arith.addi %add3A_182, %mul3A_62 : i32
      %swap3A_184 = arith.constant 3 : i32
      %swap3A_185 = arith.index_cast %swap3A_184 : i32 to index
      %swap3A_186 = arith.index_cast %add3A_183 : i32 to index
      %swap3A_187 = tpu.vector_load %arg9[%swap3A_185, %swap3A_186] {strides = array<i32>} : memref<12x1024xf32, #tpu.memory_space<vmem>>, vector<16xf32>,
      tpu.vector_store %arg9[%swap3A_185, %swap3A_186], %add3A_181 {strides = array<i32>} : memref<12x1024xf32, #tpu.memory_space<vmem>>, vector<16xf32>,
      %add3A_188 = arith.constant 4096 : i32
      %add3A_189 = vector.broadcast %add3A_188 : i32 to vector<16xi32>
      %add3A_190 = arith.addi %add3A_189, %get3A_67 : vector<16xi32>
      %gather3A_191 = tpu.vector_load_idx %arg6[%add3A_190] : memref<12288xf32, #tpu.memory_space<vmem>>[vector<16xi32>], vector<16xf32>,
      %add3A_192 = arith.constant 4096 : i32
      %add3A_193 = vector.broadcast %add3A_192 : i32 to vector<16xi32>
      %add3A_194 = arith.addi %add3A_193, %get3A_73 : vector<16xi32>
      %gather3A_195 = tpu.vector_load_idx %arg6[%add3A_194] : memref<12288xf32, #tpu.memory_space<vmem>>[vector<16xi32>], vector<16xf32>,
      %add3A_196 = arith.constant 4096 : i32
      %add3A_197 = vector.broadcast %add3A_196 : i32 to vector<16xi32>
      %add3A_198 = arith.addi %add3A_197, %get3A_79 : vector<16xi32>
      %gather3A_199 = tpu.vector_load_idx %arg6[%add3A_198] : memref<12288xf32, #tpu.memory_space<vmem>>[vector<16xi32>], vector<16xf32>,
      %mul3A_200 = arith.mulf %get3A_85, %gather3A_191 : vector<16xf32>
      %mul3A_201 = arith.mulf %get3A_91, %gather3A_195 : vector<16xf32>
      %add3A_202 = arith.addf %mul3A_200, %mul3A_201 : vector<16xf32>
      %mul3A_203 = arith.mulf %get3A_97, %gather3A_199 : vector<16xf32>
      %add3A_204 = arith.addf %add3A_202, %mul3A_203 : vector<16xf32>
      %add3A_205 = arith.constant 512 : i32
      %add3A_206 = arith.addi %add3A_205, %mul3A_62 : i32
      %swap3A_207 = arith.constant 4 : i32
      %swap3A_208 = arith.index_cast %swap3A_207 : i32 to index
      %swap3A_209 = arith.index_cast %add3A_206 : i32 to index
      %swap3A_210 = tpu.vector_load %arg9[%swap3A_208, %swap3A_209] {strides = array<i32>} : memref<12x1024xf32, #tpu.memory_space<vmem>>, vector<16xf32>,
      tpu.vector_store %arg9[%swap3A_208, %swap3A_209], %add3A_204 {strides = array<i32>} : memref<12x1024xf32, #tpu.memory_space<vmem>>, vector<16xf32>,
      %add3A_211 = arith.constant 5120 : i32
      %add3A_212 = vector.broadcast %add3A_211 : i32 to vector<16xi32>
      %add3A_213 = arith.addi %add3A_212, %get3A_67 : vector<16xi32>
      %gather3A_214 = tpu.vector_load_idx %arg6[%add3A_213] : memref<12288xf32, #tpu.memory_space<vmem>>[vector<16xi32>], vector<16xf32>,
      %add3A_215 = arith.constant 5120 : i32
      %add3A_216 = vector.broadcast %add3A_215 : i32 to vector<16xi32>
      %add3A_217 = arith.addi %add3A_216, %get3A_73 : vector<16xi32>
      %gather3A_218 = tpu.vector_load_idx %arg6[%add3A_217] : memref<12288xf32, #tpu.memory_space<vmem>>[vector<16xi32>], vector<16xf32>,
      %add3A_219 = arith.constant 5120 : i32
      %add3A_220 = vector.broadcast %add3A_219 : i32 to vector<16xi32>
      %add3A_221 = arith.addi %add3A_220, %get3A_79 : vector<16xi32>
      %gather3A_222 = tpu.vector_load_idx %arg6[%add3A_221] : memref<12288xf32, #tpu.memory_space<vmem>>[vector<16xi32>], vector<16xf32>,
      %mul3A_223 = arith.mulf %get3A_85, %gather3A_214 : vector<16xf32>
      %mul3A_224 = arith.mulf %get3A_91, %gather3A_218 : vector<16xf32>
      %add3A_225 = arith.addf %mul3A_223, %mul3A_224 : vector<16xf32>
      %mul3A_226 = arith.mulf %get3A_97, %gather3A_222 : vector<16xf32>
      %add3A_227 = arith.addf %add3A_225, %mul3A_226 : vector<16xf32>
      %add3A_228 = arith.constant 512 : i32
      %add3A_229 = arith.addi %add3A_228, %mul3A_62 : i32
      %swap3A_230 = arith.constant 5 : i32
      %swap3A_231 = arith.index_cast %swap3A_230 : i32 to index
      %swap3A_232 = arith.index_cast %add3A_229 : i32 to index
      %swap3A_233 = tpu.vector_load %arg9[%swap3A_231, %swap3A_232] {strides = array<i32>} : memref<12x1024xf32, #tpu.memory_space<vmem>>, vector<16xf32>,
      tpu.vector_store %arg9[%swap3A_231, %swap3A_232], %add3A_227 {strides = array<i32>} : memref<12x1024xf32, #tpu.memory_space<vmem>>, vector<16xf32>,
      %add3A_234 = arith.constant 6144 : i32
      %add3A_235 = vector.broadcast %add3A_234 : i32 to vector<16xi32>
      %add3A_236 = arith.addi %add3A_235, %get3A_67 : vector<16xi32>
      %gather3A_237 = tpu.vector_load_idx %arg6[%add3A_236] : memref<12288xf32, #tpu.memory_space<vmem>>[vector<16xi32>], vector<16xf32>,
      %add3A_238 = arith.constant 6144 : i32
      %add3A_239 = vector.broadcast %add3A_238 : i32 to vector<16xi32>
      %add3A_240 = arith.addi %add3A_239, %get3A_73 : vector<16xi32>
      %gather3A_241 = tpu.vector_load_idx %arg6[%add3A_240] : memref<12288xf32, #tpu.memory_space<vmem>>[vector<16xi32>], vector<16xf32>,
      %add3A_242 = arith.constant 6144 : i32
      %add3A_243 = vector.broadcast %add3A_242 : i32 to vector<16xi32>
      %add3A_244 = arith.addi %add3A_243, %get3A_79 : vector<16xi32>
      %gather3A_245 = tpu.vector_load_idx %arg6[%add3A_244] : memref<12288xf32, #tpu.memory_space<vmem>>[vector<16xi32>], vector<16xf32>,
      %mul3A_246 = arith.mulf %get3A_85, %gather3A_237 : vector<16xf32>
      %mul3A_247 = arith.mulf %get3A_91, %gather3A_241 : vector<16xf32>
      %add3A_248 = arith.addf %mul3A_246, %mul3A_247 : vector<16xf32>
      %mul3A_249 = arith.mulf %get3A_97, %gather3A_245 : vector<16xf32>
      %add3A_250 = arith.addf %add3A_248, %mul3A_249 : vector<16xf32>
      %add3A_251 = arith.constant 512 : i32
      %add3A_252 = arith.addi %add3A_251, %mul3A_62 : i32
      %swap3A_253 = arith.constant 6 : i32
      %swap3A_254 = arith.index_cast %swap3A_253 : i32 to index
      %swap3A_255 = arith.index_cast %add3A_252 : i32 to index
      %swap3A_256 = tpu.vector_load %arg9[%swap3A_254, %swap3A_255] {strides = array<i32>} : memref<12x1024xf32, #tpu.memory_space<vmem>>, vector<16xf32>,
      tpu.vector_store %arg9[%swap3A_254, %swap3A_255], %add3A_250 {strides = array<i32>} : memref<12x1024xf32, #tpu.memory_space<vmem>>, vector<16xf32>,
      %add3A_257 = arith.constant 7168 : i32
      %add3A_258 = vector.broadcast %add3A_257 : i32 to vector<16xi32>
      %add3A_259 = arith.addi %add3A_258, %get3A_67 : vector<16xi32>
      %gather3A_260 = tpu.vector_load_idx %arg6[%add3A_259] : memref<12288xf32, #tpu.memory_space<vmem>>[vector<16xi32>], vector<16xf32>,
      %add3A_261 = arith.constant 7168 : i32
      %add3A_262 = vector.broadcast %add3A_261 : i32 to vector<16xi32>
      %add3A_263 = arith.addi %add3A_262, %get3A_73 : vector<16xi32>
      %gather3A_264 = tpu.vector_load_idx %arg6[%add3A_263] : memref<12288xf32, #tpu.memory_space<vmem>>[vector<16xi32>], vector<16xf32>,
      %add3A_265 = arith.constant 7168 : i32
      %add3A_266 = vector.broadcast %add3A_265 : i32 to vector<16xi32>
      %add3A_267 = arith.addi %add3A_266, %get3A_79 : vector<16xi32>
      %gather3A_268 = tpu.vector_load_idx %arg6[%add3A_267] : memref<12288xf32, #tpu.memory_space<vmem>>[vector<16xi32>], vector<16xf32>,
      %mul3A_269 = arith.mulf %get3A_85, %gather3A_260 : vector<16xf32>
      %mul3A_270 = arith.mulf %get3A_91, %gather3A_264 : vector<16xf32>
      %add3A_271 = arith.addf %mul3A_269, %mul3A_270 : vector<16xf32>
      %mul3A_272 = arith.mulf %get3A_97, %gather3A_268 : vector<16xf32>
      %add3A_273 = arith.addf %add3A_271, %mul3A_272 : vector<16xf32>
      %add3A_274 = arith.constant 512 : i32
      %add3A_275 = arith.addi %add3A_274, %mul3A_62 : i32
      %swap3A_276 = arith.constant 7 : i32
      %swap3A_277 = arith.index_cast %swap3A_276 : i32 to index
      %swap3A_278 = arith.index_cast %add3A_275 : i32 to index
      %swap3A_279 = tpu.vector_load %arg9[%swap3A_277, %swap3A_278] {strides = array<i32>} : memref<12x1024xf32, #tpu.memory_space<vmem>>, vector<16xf32>,
      tpu.vector_store %arg9[%swap3A_277, %swap3A_278], %add3A_273 {strides = array<i32>} : memref<12x1024xf32, #tpu.memory_space<vmem>>, vector<16xf32>,
      %add3A_280 = arith.constant 8192 : i32
      %add3A_281 = vector.broadcast %add3A_280 : i32 to vector<16xi32>
      %add3A_282 = arith.addi %add3A_281, %get3A_67 : vector<16xi32>
      %gather3A_283 = tpu.vector_load_idx %arg6[%add3A_282] : memref<12288xf32, #tpu.memory_space<vmem>>[vector<16xi32>], vector<16xf32>,
      %add3A_284 = arith.constant 8192 : i32
      %add3A_285 = vector.broadcast %add3A_284 : i32 to vector<16xi32>
      %add3A_286 = arith.addi %add3A_285, %get3A_73 : vector<16xi32>
      %gather3A_287 = tpu.vector_load_idx %arg6[%add3A_286] : memref<12288xf32, #tpu.memory_space<vmem>>[vector<16xi32>], vector<16xf32>,
      %add3A_288 = arith.constant 8192 : i32
      %add3A_289 = vector.broadcast %add3A_288 : i32 to vector<16xi32>
      %add3A_290 = arith.addi %add3A_289, %get3A_79 : vector<16xi32>
      %gather3A_291 = tpu.vector_load_idx %arg6[%add3A_290] : memref<12288xf32, #tpu.memory_space<vmem>>[vector<16xi32>], vector<16xf32>,
      %mul3A_292 = arith.mulf %get3A_85, %gather3A_283 : vector<16xf32>
      %mul3A_293 = arith.mulf %get3A_91, %gather3A_287 : vector<16xf32>
      %add3A_294 = arith.addf %mul3A_292, %mul3A_293 : vector<16xf32>
      %mul3A_295 = arith.mulf %get3A_97, %gather3A_291 : vector<16xf32>
      %add3A_296 = arith.addf %add3A_294, %mul3A_295 : vector<16xf32>
      %add3A_297 = arith.constant 512 : i32
      %add3A_298 = arith.addi %add3A_297, %mul3A_62 : i32
      %swap3A_299 = arith.constant 8 : i32
      %swap3A_300 = arith.index_cast %swap3A_299 : i32 to index
      %swap3A_301 = arith.index_cast %add3A_298 : i32 to index
      %swap3A_302 = tpu.vector_load %arg9[%swap3A_300, %swap3A_301] {strides = array<i32>} : memref<12x1024xf32, #tpu.memory_space<vmem>>, vector<16xf32>,
      tpu.vector_store %arg9[%swap3A_300, %swap3A_301], %add3A_296 {strides = array<i32>} : memref<12x1024xf32, #tpu.memory_space<vmem>>, vector<16xf32>,
      %add3A_303 = arith.constant 9216 : i32
      %add3A_304 = vector.broadcast %add3A_303 : i32 to vector<16xi32>
      %add3A_305 = arith.addi %add3A_304, %get3A_67 : vector<16xi32>
      %gather3A_306 = tpu.vector_load_idx %arg6[%add3A_305] : memref<12288xf32, #tpu.memory_space<vmem>>[vector<16xi32>], vector<16xf32>,
      %add3A_307 = arith.constant 9216 : i32
      %add3A_308 = vector.broadcast %add3A_307 : i32 to vector<16xi32>
      %add3A_309 = arith.addi %add3A_308, %get3A_73 : vector<16xi32>
      %gather3A_310 = tpu.vector_load_idx %arg6[%add3A_309] : memref<12288xf32, #tpu.memory_space<vmem>>[vector<16xi32>], vector<16xf32>,
      %add3A_311 = arith.constant 9216 : i32
      %add3A_312 = vector.broadcast %add3A_311 : i32 to vector<16xi32>
      %add3A_313 = arith.addi %add3A_312, %get3A_79 : vector<16xi32>
      %gather3A_314 = tpu.vector_load_idx %arg6[%add3A_313] : memref<12288xf32, #tpu.memory_space<vmem>>[vector<16xi32>], vector<16xf32>,
      %mul3A_315 = arith.mulf %get3A_85, %gather3A_306 : vector<16xf32>
      %mul3A_316 = arith.mulf %get3A_91, %gather3A_310 : vector<16xf32>
      %add3A_317 = arith.addf %mul3A_315, %mul3A_316 : vector<16xf32>
      %mul3A_318 = arith.mulf %get3A_97, %gather3A_314 : vector<16xf32>
      %add3A_319 = arith.addf %add3A_317, %mul3A_318 : vector<16xf32>
      %add3A_320 = arith.constant 512 : i32
      %add3A_321 = arith.addi %add3A_320, %mul3A_62 : i32
      %swap3A_322 = arith.constant 9 : i32
      %swap3A_323 = arith.index_cast %swap3A_322 : i32 to index
      %swap3A_324 = arith.index_cast %add3A_321 : i32 to index
      %swap3A_325 = tpu.vector_load %arg9[%swap3A_323, %swap3A_324] {strides = array<i32>} : memref<12x1024xf32, #tpu.memory_space<vmem>>, vector<16xf32>,
      tpu.vector_store %arg9[%swap3A_323, %swap3A_324], %add3A_319 {strides = array<i32>} : memref<12x1024xf32, #tpu.memory_space<vmem>>, vector<16xf32>,
      %add3A_326 = arith.constant 10240 : i32
      %add3A_327 = vector.broadcast %add3A_326 : i32 to vector<16xi32>
      %add3A_328 = arith.addi %add3A_327, %get3A_67 : vector<16xi32>
      %gather3A_329 = tpu.vector_load_idx %arg6[%add3A_328] : memref<12288xf32, #tpu.memory_space<vmem>>[vector<16xi32>], vector<16xf32>,
      %add3A_330 = arith.constant 10240 : i32
      %add3A_331 = vector.broadcast %add3A_330 : i32 to vector<16xi32>
      %add3A_332 = arith.addi %add3A_331, %get3A_73 : vector<16xi32>
      %gather3A_333 = tpu.vector_load_idx %arg6[%add3A_332] : memref<12288xf32, #tpu.memory_space<vmem>>[vector<16xi32>], vector<16xf32>,
      %add3A_334 = arith.constant 10240 : i32
      %add3A_335 = vector.broadcast %add3A_334 : i32 to vector<16xi32>
      %add3A_336 = arith.addi %add3A_335, %get3A_79 : vector<16xi32>
      %gather3A_337 = tpu.vector_load_idx %arg6[%add3A_336] : memref<12288xf32, #tpu.memory_space<vmem>>[vector<16xi32>], vector<16xf32>,
      %mul3A_338 = arith.mulf %get3A_85, %gather3A_329 : vector<16xf32>
      %mul3A_339 = arith.mulf %get3A_91, %gather3A_333 : vector<16xf32>
      %add3A_340 = arith.addf %mul3A_338, %mul3A_339 : vector<16xf32>
      %mul3A_341 = arith.mulf %get3A_97, %gather3A_337 : vector<16xf32>
      %add3A_342 = arith.addf %add3A_340, %mul3A_341 : vector<16xf32>
      %add3A_343 = arith.constant 512 : i32
      %add3A_344 = arith.addi %add3A_343, %mul3A_62 : i32
      %swap3A_345 = arith.constant 10 : i32
      %swap3A_346 = arith.index_cast %swap3A_345 : i32 to index
      %swap3A_347 = arith.index_cast %add3A_344 : i32 to index
      %swap3A_348 = tpu.vector_load %arg9[%swap3A_346, %swap3A_347] {strides = array<i32>} : memref<12x1024xf32, #tpu.memory_space<vmem>>, vector<16xf32>,
      tpu.vector_store %arg9[%swap3A_346, %swap3A_347], %add3A_342 {strides = array<i32>} : memref<12x1024xf32, #tpu.memory_space<vmem>>, vector<16xf32>,
      %add3A_349 = arith.constant 11264 : i32
      %add3A_350 = vector.broadcast %add3A_349 : i32 to vector<16xi32>
      %add3A_351 = arith.addi %add3A_350, %get3A_67 : vector<16xi32>
      %gather3A_352 = tpu.vector_load_idx %arg6[%add3A_351] : memref<12288xf32, #tpu.memory_space<vmem>>[vector<16xi32>], vector<16xf32>,
      %add3A_353 = arith.constant 11264 : i32
      %add3A_354 = vector.broadcast %add3A_353 : i32 to vector<16xi32>
      %add3A_355 = arith.addi %add3A_354, %get3A_73 : vector<16xi32>
      %gather3A_356 = tpu.vector_load_idx %arg6[%add3A_355] : memref<12288xf32, #tpu.memory_space<vmem>>[vector<16xi32>], vector<16xf32>,
      %add3A_357 = arith.constant 11264 : i32
      %add3A_358 = vector.broadcast %add3A_357 : i32 to vector<16xi32>
      %add3A_359 = arith.addi %add3A_358, %get3A_79 : vector<16xi32>
      %gather3A_360 = tpu.vector_load_idx %arg6[%add3A_359] : memref<12288xf32, #tpu.memory_space<vmem>>[vector<16xi32>], vector<16xf32>,
      %mul3A_361 = arith.mulf %get3A_85, %gather3A_352 : vector<16xf32>
      %mul3A_362 = arith.mulf %get3A_91, %gather3A_356 : vector<16xf32>
      %add3A_363 = arith.addf %mul3A_361, %mul3A_362 : vector<16xf32>
      %mul3A_364 = arith.mulf %get3A_97, %gather3A_360 : vector<16xf32>
      %add3A_365 = arith.addf %add3A_363, %mul3A_364 : vector<16xf32>
      %add3A_366 = arith.constant 512 : i32
      %add3A_367 = arith.addi %add3A_366, %mul3A_62 : i32
      %swap3A_368 = arith.constant 11 : i32
      %swap3A_369 = arith.index_cast %swap3A_368 : i32 to index
      %swap3A_370 = arith.index_cast %add3A_367 : i32 to index
      %swap3A_371 = tpu.vector_load %arg9[%swap3A_369, %swap3A_370] {strides = array<i32>} : memref<12x1024xf32, #tpu.memory_space<vmem>>, vector<16xf32>,
      tpu.vector_store %arg9[%swap3A_369, %swap3A_370], %add3A_365 {strides = array<i32>} : memref<12x1024xf32, #tpu.memory_space<vmem>>, vector<16xf32>,
      %scan3A_372 = arith.constant 0 : i32
      scf.yield %scan3A_372 : i32
    }
    %scan3A_58 = arith.constant 32 : i32
    "tpu.region"() ({
      %run_scoped3A_59 = tpu.sem_alloc : memref<!tpu.dma_semaphore, #tpu.memory_space<semaphore_mem>>
      %dma_start3A = arith.constant 0 : i32
      %dma_start3A_60 = arith.constant 0 : i32
      %dma_start3A_61 = tpu.memref_slice %arg5[%select_n3A, %select_n3A_30, %dma_start3A, %dma_start3A_60] : memref<8x4x12x1024xf32, #tpu.memory_space<hbm>> -> memref<1x1x12x1024xf32, #tpu.memory_space<hbm>>
      %dma_start3A_62 = tpu.memref_squeeze %dma_start3A_61 : memref<1x1x12x1024xf32, #tpu.memory_space<hbm>> -> memref<12x1024xf32, #tpu.memory_space<hbm>>
      %dma_start3A_63 = arith.constant 0 : i32
      %dma_start3A_64 = arith.constant 0 : i32
      %dma_start3A_65 = tpu.memref_slice %arg5[%select_n3A, %select_n3A_30, %dma_start3A_63, %dma_start3A_64] : memref<8x4x12x1024xf32, #tpu.memory_space<hbm>> -> memref<1x1x12x1024xf32, #tpu.memory_space<hbm>>
      %dma_start3A_66 = tpu.memref_squeeze %dma_start3A_65 : memref<1x1x12x1024xf32, #tpu.memory_space<hbm>> -> memref<12x1024xf32, #tpu.memory_space<hbm>>
      tpu.enqueue_dma source(%arg9 : memref<12x1024xf32, #tpu.memory_space<vmem>>) target(%dma_start3A_66 : memref<12x1024xf32, #tpu.memory_space<hbm>>) target_semaphore(%run_scoped3A_59 : memref<!tpu.dma_semaphore, #tpu.memory_space<semaphore_mem>>)
      %dma_wait3A = arith.constant 0 : i32
      %dma_wait3A_67 = arith.constant 0 : i32
      %dma_wait3A_68 = tpu.memref_slice %arg5[%select_n3A, %select_n3A_30, %dma_wait3A, %dma_wait3A_67] : memref<8x4x12x1024xf32, #tpu.memory_space<hbm>> -> memref<1x1x12x1024xf32, #tpu.memory_space<hbm>>
      %dma_wait3A_69 = tpu.memref_squeeze %dma_wait3A_68 : memref<1x1x12x1024xf32, #tpu.memory_space<hbm>> -> memref<12x1024xf32, #tpu.memory_space<hbm>>
      %dma_wait3A_70 = arith.constant 0 : i32
      %dma_wait3A_71 = arith.constant 0 : i32
      %dma_wait3A_72 = tpu.memref_slice %arg5[%select_n3A, %select_n3A_30, %dma_wait3A_70, %dma_wait3A_71] : memref<8x4x12x1024xf32, #tpu.memory_space<hbm>> -> memref<1x1x12x1024xf32, #tpu.memory_space<hbm>>
      %dma_wait3A_73 = tpu.memref_squeeze %dma_wait3A_72 : memref<1x1x12x1024xf32, #tpu.memory_space<hbm>> -> memref<12x1024xf32, #tpu.memory_space<hbm>>
      tpu.wait_dma2 semaphore(%run_scoped3A_59 : memref<!tpu.dma_semaphore, #tpu.memory_space<semaphore_mem>>) src(%arg9 : memref<12x1024xf32, #tpu.memory_space<vmem>>) dst(%dma_wait3A_73 : memref<12x1024xf32, #tpu.memory_space<hbm>>)
      tpu.yield
    }) : () -> ()
    return
  }
}

module attributes {stable_mosaic.version = 14 : i64} {
  func.func @_select_body(%arg0: i32, %arg1: i32, %arg2: memref<1x3x1024xf32, #tpu.memory_space<vmem>>, %arg3: memref<1x256x3xf32, #tpu.memory_space<vmem>>, %arg4: memref<1x6x256xf32, #tpu.memory_space<vmem>>, %arg5: memref<12x6xf32, #tpu.memory_space<vmem>>, %arg6: memref<12x1xf32, #tpu.memory_space<vmem>>, %arg7: memref<1x3x512xf32, #tpu.memory_space<vmem>>, %arg8: memref<1x1024x3xf32, #tpu.memory_space<vmem>>, %arg9: memref<1x12x1024xf32, #tpu.memory_space<vmem>>, %arg10: memref<1x1x3x512xi32, #tpu.memory_space<vmem>>, %arg11: memref<1x1x3x512xf32, #tpu.memory_space<vmem>>, %arg12: memref<12x1024xf32, #tpu.memory_space<vmem>>) attributes {dimension_semantics = [#tpu.dimension_semantics<arbitrary>, #tpu.dimension_semantics<arbitrary>], iteration_bounds = array<i64: 8, 8>, scalar_prefetch = 0 : i64, scratch_operands = 1 : i64, tpu.core_type = #tpu.core_type<tc>, window_params = [{transform_indices = @transform_0, window_bounds = array<i64: 1, 3, 1024>}, {transform_indices = @transform_1, window_bounds = array<i64: 1, 256, 3>}, {transform_indices = @transform_2, window_bounds = array<i64: 1, 6, 256>}, {pipeline_mode = #tpu.pipeline_mode<synchronous>, transform_indices = @transform_3, window_bounds = array<i64: 12, 6>}, {pipeline_mode = #tpu.pipeline_mode<synchronous>, transform_indices = @transform_4, window_bounds = array<i64: 12, 1>}, {transform_indices = @transform_5, window_bounds = array<i64: 1, 3, 512>}, {transform_indices = @transform_6, window_bounds = array<i64: 1, 1024, 3>}, {transform_indices = @transform_7, window_bounds = array<i64: 1, 12, 1024>}, {transform_indices = @transform_8, window_bounds = array<i64: 1, 1, 3, 512>}, {transform_indices = @transform_9, window_bounds = array<i64: 1, 1, 3, 512>}]} {
    %eq3A = arith.constant 0 : i32
    %eq3A_0 = arith.cmpi eq, %arg1, %eq3A : i32
    %convert_element_type3A = arith.extui %eq3A_0 : i1 to i32
    %cond3A = arith.constant 0 : i32
    %cond3A_1 = arith.cmpi ne, %convert_element_type3A, %cond3A : i32
    scf.if %cond3A_1 {
      %get3A_118 = arith.constant 0 : index
      %get3A_119 = arith.constant 0 : index
      %get3A_120 = arith.constant 0 : index
      %get3A_121 = vector.load %arg3[%get3A_118, %get3A_119, %get3A_120] : memref<1x256x3xf32, #tpu.memory_space<vmem>>, vector<1x256x3xf32>
      %get3A_122 = vector.shape_cast %get3A_121 : vector<1x256x3xf32> to vector<256x3xf32>
      %get3A_123 = arith.constant 0 : index
      %get3A_124 = arith.constant 0 : index
      %get3A_125 = arith.constant 0 : index
      %get3A_126 = vector.load %arg2[%get3A_123, %get3A_124, %get3A_125] : memref<1x3x1024xf32, #tpu.memory_space<vmem>>, vector<1x3x1024xf32>
      %get3A_127 = vector.shape_cast %get3A_126 : vector<1x3x1024xf32> to vector<3x1024xf32>
      %mul3A_128 = arith.mulf %get3A_122, %get3A_122 : vector<256x3xf32>
      %reduce_sum3A_129 = arith.constant dense<0.000000e+00> : vector<256xf32>
      %reduce_sum3A_130 = vector.multi_reduction <add>, %mul3A_128, %reduce_sum3A_129 [1] : vector<256x3xf32> to vector<256xf32>
      %broadcast_in_dim3A_131 = vector.shape_cast %reduce_sum3A_130 : vector<256xf32> to vector<256x1xf32>
      %mul3A_132 = arith.mulf %get3A_127, %get3A_127 : vector<3x1024xf32>
      %reduce_sum3A_133 = arith.constant dense<0.000000e+00> : vector<1024xf32>
      %reduce_sum3A_134 = vector.multi_reduction <add>, %mul3A_132, %reduce_sum3A_133 [0] : vector<3x1024xf32> to vector<1024xf32>
      %broadcast_in_dim3A_135 = vector.shape_cast %reduce_sum3A_134 : vector<1024xf32> to vector<1x1024xf32>
      %dot_general3A_136 = arith.constant dense<0.000000e+00> : vector<256x1024xf32>
      %dot_general3A_137 = tpu.matmul %get3A_122, %get3A_127, %dot_general3A_136 {dimension_numbers = #tpu.dot_dimension_numbers<[1], [0], [0], [1], [0, 0, 1, 1], [], []>, transpose_lhs_hint = false} : vector<256x3xf32>, vector<3x1024xf32>, vector<256x1024xf32> -> vector<256x1024xf32>
      %add3A_138 = vector.broadcast %broadcast_in_dim3A_131 : vector<256x1xf32> to vector<256x1024xf32>
      %add3A_139 = vector.broadcast %broadcast_in_dim3A_135 : vector<1x1024xf32> to vector<256x1024xf32>
      %add3A_140 = arith.addf %add3A_138, %add3A_139 : vector<256x1024xf32>
      %mul3A_141 = arith.constant 2.000000e+00 : f32
      %mul3A_142 = vector.broadcast %mul3A_141 : f32 to vector<256x1024xf32>
      %mul3A_143 = arith.mulf %mul3A_142, %dot_general3A_137 : vector<256x1024xf32>
      %sub3A_144 = arith.subf %add3A_140, %mul3A_143 : vector<256x1024xf32>
      %iota3A_145 = tpu.iota {dimensions = array<i32: 0>} : vector<256x1024xi32>
      %reduce_min3A_146 = arith.constant dense<0x7F800000> : vector<1024xf32>
      %reduce_min3A_147 = vector.multi_reduction <minimumf>, %sub3A_144, %reduce_min3A_146 [0] : vector<256x1024xf32> to vector<1024xf32>
      %broadcast_in_dim3A_148 = vector.shape_cast %reduce_min3A_147 : vector<1024xf32> to vector<1x1024xf32>
      %eq3A_149 = vector.broadcast %broadcast_in_dim3A_148 : vector<1x1024xf32> to vector<256x1024xf32>
      %eq3A_150 = arith.cmpf oeq, %sub3A_144, %eq3A_149 : vector<256x1024xf32>
      %jit3A_151 = arith.constant 512 : i32
      %broadcast_in_dim3A_152 = vector.broadcast %jit3A_151 : i32 to vector<256x1024xi32>
      %select_n3A_153 = arith.select %eq3A_150, %iota3A_145, %broadcast_in_dim3A_152 : vector<256x1024xi1>, vector<256x1024xi32>
      %reduce_min3A_154 = arith.constant dense<2147483647> : vector<1024xi32>
      %reduce_min3A_155 = vector.multi_reduction <minsi>, %select_n3A_153, %reduce_min3A_154 [0] : vector<256x1024xi32> to vector<1024xi32>
      %broadcast_in_dim3A_156 = vector.shape_cast %reduce_min3A_155 : vector<1024xi32> to vector<1x1024xi32>
      %eq3A_157 = vector.broadcast %broadcast_in_dim3A_156 : vector<1x1024xi32> to vector<256x1024xi32>
      %eq3A_158 = arith.cmpi eq, %iota3A_145, %eq3A_157 : vector<256x1024xi32>
      %max3A_159 = arith.constant 0.000000e+00 : f32
      %max3A_160 = vector.broadcast %max3A_159 : f32 to vector<1x1024xf32>
      %max3A_161 = arith.maximumf %broadcast_in_dim3A_148, %max3A_160 : vector<1x1024xf32>
      %add3A_162 = arith.constant 9.99999993E-9 : f32
      %add3A_163 = vector.broadcast %add3A_162 : f32 to vector<1x1024xf32>
      %add3A_164 = arith.addf %max3A_161, %add3A_163 : vector<1x1024xf32>
      %div3A_165 = arith.constant 1.000000e+00 : f32
      %div3A_166 = vector.broadcast %div3A_165 : f32 to vector<1x1024xf32>
      %div3A_167 = arith.divf %div3A_166, %add3A_164 : vector<1x1024xf32>
      %jit3A_168 = arith.constant 3.000000e+38 : f32
      %broadcast_in_dim3A_169 = vector.broadcast %jit3A_168 : f32 to vector<256x1024xf32>
      %select_n3A_170 = arith.select %eq3A_158, %broadcast_in_dim3A_169, %sub3A_144 : vector<256x1024xi1>, vector<256x1024xf32>
      %reduce_min3A_171 = arith.constant dense<0x7F800000> : vector<1024xf32>
      %reduce_min3A_172 = vector.multi_reduction <minimumf>, %select_n3A_170, %reduce_min3A_171 [0] : vector<256x1024xf32> to vector<1024xf32>
      %broadcast_in_dim3A_173 = vector.shape_cast %reduce_min3A_172 : vector<1024xf32> to vector<1x1024xf32>
      %eq3A_174 = vector.broadcast %broadcast_in_dim3A_173 : vector<1x1024xf32> to vector<256x1024xf32>
      %eq3A_175 = arith.cmpf oeq, %select_n3A_170, %eq3A_174 : vector<256x1024xf32>
      %jit3A_176 = arith.constant 512 : i32
      %broadcast_in_dim3A_177 = vector.broadcast %jit3A_176 : i32 to vector<256x1024xi32>
      %select_n3A_178 = arith.select %eq3A_175, %iota3A_145, %broadcast_in_dim3A_177 : vector<256x1024xi1>, vector<256x1024xi32>
      %reduce_min3A_179 = arith.constant dense<2147483647> : vector<1024xi32>
      %reduce_min3A_180 = vector.multi_reduction <minsi>, %select_n3A_178, %reduce_min3A_179 [0] : vector<256x1024xi32> to vector<1024xi32>
      %broadcast_in_dim3A_181 = vector.shape_cast %reduce_min3A_180 : vector<1024xi32> to vector<1x1024xi32>
      %eq3A_182 = vector.broadcast %broadcast_in_dim3A_181 : vector<1x1024xi32> to vector<256x1024xi32>
      %eq3A_183 = arith.cmpi eq, %iota3A_145, %eq3A_182 : vector<256x1024xi32>
      %max3A_184 = arith.constant 0.000000e+00 : f32
      %max3A_185 = vector.broadcast %max3A_184 : f32 to vector<1x1024xf32>
      %max3A_186 = arith.maximumf %broadcast_in_dim3A_173, %max3A_185 : vector<1x1024xf32>
      %add3A_187 = arith.constant 9.99999993E-9 : f32
      %add3A_188 = vector.broadcast %add3A_187 : f32 to vector<1x1024xf32>
      %add3A_189 = arith.addf %max3A_186, %add3A_188 : vector<1x1024xf32>
      %div3A_190 = arith.constant 1.000000e+00 : f32
      %div3A_191 = vector.broadcast %div3A_190 : f32 to vector<1x1024xf32>
      %div3A_192 = arith.divf %div3A_191, %add3A_189 : vector<1x1024xf32>
      %jit3A_193 = arith.constant 3.000000e+38 : f32
      %broadcast_in_dim3A_194 = vector.broadcast %jit3A_193 : f32 to vector<256x1024xf32>
      %select_n3A_195 = arith.select %eq3A_183, %broadcast_in_dim3A_194, %select_n3A_170 : vector<256x1024xi1>, vector<256x1024xf32>
      %reduce_min3A_196 = arith.constant dense<0x7F800000> : vector<1024xf32>
      %reduce_min3A_197 = vector.multi_reduction <minimumf>, %select_n3A_195, %reduce_min3A_196 [0] : vector<256x1024xf32> to vector<1024xf32>
      %broadcast_in_dim3A_198 = vector.shape_cast %reduce_min3A_197 : vector<1024xf32> to vector<1x1024xf32>
      %eq3A_199 = vector.broadcast %broadcast_in_dim3A_198 : vector<1x1024xf32> to vector<256x1024xf32>
      %eq3A_200 = arith.cmpf oeq, %select_n3A_195, %eq3A_199 : vector<256x1024xf32>
      %jit3A_201 = arith.constant 512 : i32
      %broadcast_in_dim3A_202 = vector.broadcast %jit3A_201 : i32 to vector<256x1024xi32>
      %select_n3A_203 = arith.select %eq3A_200, %iota3A_145, %broadcast_in_dim3A_202 : vector<256x1024xi1>, vector<256x1024xi32>
      %reduce_min3A_204 = arith.constant dense<2147483647> : vector<1024xi32>
      %reduce_min3A_205 = vector.multi_reduction <minsi>, %select_n3A_203, %reduce_min3A_204 [0] : vector<256x1024xi32> to vector<1024xi32>
      %broadcast_in_dim3A_206 = vector.shape_cast %reduce_min3A_205 : vector<1024xi32> to vector<1x1024xi32>
      %eq3A_207 = vector.broadcast %broadcast_in_dim3A_206 : vector<1x1024xi32> to vector<256x1024xi32>
      %eq3A_208 = arith.cmpi eq, %iota3A_145, %eq3A_207 : vector<256x1024xi32>
      %max3A_209 = arith.constant 0.000000e+00 : f32
      %max3A_210 = vector.broadcast %max3A_209 : f32 to vector<1x1024xf32>
      %max3A_211 = arith.maximumf %broadcast_in_dim3A_198, %max3A_210 : vector<1x1024xf32>
      %add3A_212 = arith.constant 9.99999993E-9 : f32
      %add3A_213 = vector.broadcast %add3A_212 : f32 to vector<1x1024xf32>
      %add3A_214 = arith.addf %max3A_211, %add3A_213 : vector<1x1024xf32>
      %div3A_215 = arith.constant 1.000000e+00 : f32
      %div3A_216 = vector.broadcast %div3A_215 : f32 to vector<1x1024xf32>
      %div3A_217 = arith.divf %div3A_216, %add3A_214 : vector<1x1024xf32>
      %add3A_218 = arith.addf %div3A_167, %div3A_192 : vector<1x1024xf32>
      %add3A_219 = arith.addf %add3A_218, %div3A_217 : vector<1x1024xf32>
      %div3A_220 = arith.constant 1.000000e+00 : f32
      %div3A_221 = vector.broadcast %div3A_220 : f32 to vector<1x1024xf32>
      %div3A_222 = arith.divf %div3A_221, %add3A_219 : vector<1x1024xf32>
      %mul3A_223 = arith.mulf %div3A_167, %div3A_222 : vector<1x1024xf32>
      %mul3A_224 = arith.mulf %div3A_192, %div3A_222 : vector<1x1024xf32>
      %mul3A_225 = arith.mulf %div3A_217, %div3A_222 : vector<1x1024xf32>
      %broadcast_in_dim3A_226 = arith.constant 0.000000e+00 : f32
      %broadcast_in_dim3A_227 = vector.broadcast %broadcast_in_dim3A_226 : f32 to vector<256x1024xf32>
      %broadcast_in_dim3A_228 = vector.shape_cast %mul3A_223 : vector<1x1024xf32> to vector<1x1024xf32>
      %broadcast_in_dim3A_229 = vector.broadcast %broadcast_in_dim3A_228 : vector<1x1024xf32> to vector<256x1024xf32>
      %select_n3A_230 = arith.select %eq3A_158, %broadcast_in_dim3A_229, %broadcast_in_dim3A_227 : vector<256x1024xi1>, vector<256x1024xf32>
      %broadcast_in_dim3A_231 = vector.shape_cast %mul3A_224 : vector<1x1024xf32> to vector<1x1024xf32>
      %broadcast_in_dim3A_232 = vector.broadcast %broadcast_in_dim3A_231 : vector<1x1024xf32> to vector<256x1024xf32>
      %select_n3A_233 = arith.select %eq3A_183, %broadcast_in_dim3A_232, %select_n3A_230 : vector<256x1024xi1>, vector<256x1024xf32>
      %broadcast_in_dim3A_234 = vector.shape_cast %mul3A_225 : vector<1x1024xf32> to vector<1x1024xf32>
      %broadcast_in_dim3A_235 = vector.broadcast %broadcast_in_dim3A_234 : vector<1x1024xf32> to vector<256x1024xf32>
      %select_n3A_236 = arith.select %eq3A_208, %broadcast_in_dim3A_235, %select_n3A_233 : vector<256x1024xi1>, vector<256x1024xf32>
      %get3A_237 = arith.constant 0 : index
      %get3A_238 = arith.constant 0 : index
      %get3A_239 = arith.constant 0 : index
      %get3A_240 = vector.load %arg4[%get3A_237, %get3A_238, %get3A_239] : memref<1x6x256xf32, #tpu.memory_space<vmem>>, vector<1x6x256xf32>
      %get3A_241 = vector.shape_cast %get3A_240 : vector<1x6x256xf32> to vector<6x256xf32>
      %dot_general3A_242 = arith.constant dense<0.000000e+00> : vector<6x1024xf32>
      %dot_general3A_243 = tpu.matmul %get3A_241, %select_n3A_236, %dot_general3A_242 {dimension_numbers = #tpu.dot_dimension_numbers<[1], [0], [0], [1], [0, 0, 1, 1], [], []>, transpose_lhs_hint = false} : vector<6x256xf32>, vector<256x1024xf32>, vector<6x1024xf32> -> vector<6x1024xf32>
      %get3A_244 = arith.constant 0 : index
      %get3A_245 = arith.constant 0 : index
      %get3A_246 = vector.load %arg5[%get3A_244, %get3A_245] : memref<12x6xf32, #tpu.memory_space<vmem>>, vector<12x6xf32>
      %dot_general3A_247 = arith.constant dense<0.000000e+00> : vector<12x1024xf32>
      %dot_general3A_248 = tpu.matmul %get3A_246, %dot_general3A_243, %dot_general3A_247 {dimension_numbers = #tpu.dot_dimension_numbers<[1], [0], [0], [1], [0, 0, 1, 1], [], []>, transpose_lhs_hint = false} : vector<12x6xf32>, vector<6x1024xf32>, vector<12x1024xf32> -> vector<12x1024xf32>
      %get3A_249 = arith.constant 0 : index
      %get3A_250 = arith.constant 0 : index
      %get3A_251 = vector.load %arg6[%get3A_249, %get3A_250] : memref<12x1xf32, #tpu.memory_space<vmem>>, vector<12x1xf32>
      %add3A_252 = vector.broadcast %get3A_251 : vector<12x1xf32> to vector<12x1024xf32>
      %add3A_253 = arith.addf %dot_general3A_248, %add3A_252 : vector<12x1024xf32>
      %max3A_254 = arith.constant 0.000000e+00 : f32
      %max3A_255 = vector.broadcast %max3A_254 : f32 to vector<12x1024xf32>
      %max3A_256 = arith.maximumf %add3A_253, %max3A_255 : vector<12x1024xf32>
      %swap3A_257 = arith.constant 0 : index
      %swap3A_258 = arith.constant 0 : index
      %swap3A_259 = vector.load %arg12[%swap3A_257, %swap3A_258] : memref<12x1024xf32, #tpu.memory_space<vmem>>, vector<12x1024xf32>
      tpu.vector_store %arg12[%swap3A_257, %swap3A_258], %max3A_256 {strides = array<i32>} : memref<12x1024xf32, #tpu.memory_space<vmem>>, vector<12x1024xf32>,
    } else {
    }
    %get3A = arith.constant 0 : index
    %get3A_2 = arith.constant 0 : index
    %get3A_3 = vector.load %arg12[%get3A, %get3A_2] : memref<12x1024xf32, #tpu.memory_space<vmem>>, vector<12x1024xf32>
    %swap3A = arith.constant 0 : index
    %swap3A_4 = arith.constant 0 : index
    %swap3A_5 = arith.constant 0 : index
    %swap3A_6 = vector.load %arg9[%swap3A, %swap3A_4, %swap3A_5] : memref<1x12x1024xf32, #tpu.memory_space<vmem>>, vector<1x12x1024xf32>
    %swap3A_7 = vector.shape_cast %swap3A_6 : vector<1x12x1024xf32> to vector<12x1024xf32>
    %swap3A_8 = vector.shape_cast %get3A_3 : vector<12x1024xf32> to vector<1x12x1024xf32>
    tpu.vector_store %arg9[%swap3A, %swap3A_4, %swap3A_5], %swap3A_8 {strides = array<i32>} : memref<1x12x1024xf32, #tpu.memory_space<vmem>>, vector<1x12x1024xf32>,
    %get3A_9 = arith.constant 0 : index
    %get3A_10 = arith.constant 0 : index
    %get3A_11 = arith.constant 0 : index
    %get3A_12 = vector.load %arg8[%get3A_9, %get3A_10, %get3A_11] : memref<1x1024x3xf32, #tpu.memory_space<vmem>>, vector<1x1024x3xf32>
    %get3A_13 = vector.shape_cast %get3A_12 : vector<1x1024x3xf32> to vector<1024x3xf32>
    %get3A_14 = arith.constant 0 : index
    %get3A_15 = arith.constant 0 : index
    %get3A_16 = arith.constant 0 : index
    %get3A_17 = vector.load %arg7[%get3A_14, %get3A_15, %get3A_16] : memref<1x3x512xf32, #tpu.memory_space<vmem>>, vector<1x3x512xf32>
    %get3A_18 = vector.shape_cast %get3A_17 : vector<1x3x512xf32> to vector<3x512xf32>
    %mul3A = arith.mulf %get3A_13, %get3A_13 : vector<1024x3xf32>
    %reduce_sum3A = arith.constant dense<0.000000e+00> : vector<1024xf32>
    %reduce_sum3A_19 = vector.multi_reduction <add>, %mul3A, %reduce_sum3A [1] : vector<1024x3xf32> to vector<1024xf32>
    %broadcast_in_dim3A = vector.shape_cast %reduce_sum3A_19 : vector<1024xf32> to vector<1024x1xf32>
    %mul3A_20 = arith.mulf %get3A_18, %get3A_18 : vector<3x512xf32>
    %reduce_sum3A_21 = arith.constant dense<0.000000e+00> : vector<512xf32>
    %reduce_sum3A_22 = vector.multi_reduction <add>, %mul3A_20, %reduce_sum3A_21 [0] : vector<3x512xf32> to vector<512xf32>
    %broadcast_in_dim3A_23 = vector.shape_cast %reduce_sum3A_22 : vector<512xf32> to vector<1x512xf32>
    %dot_general3A = arith.constant dense<0.000000e+00> : vector<1024x512xf32>
    %dot_general3A_24 = tpu.matmul %get3A_13, %get3A_18, %dot_general3A {dimension_numbers = #tpu.dot_dimension_numbers<[1], [0], [0], [1], [0, 0, 1, 1], [], []>, transpose_lhs_hint = false} : vector<1024x3xf32>, vector<3x512xf32>, vector<1024x512xf32> -> vector<1024x512xf32>
    %add3A = vector.broadcast %broadcast_in_dim3A : vector<1024x1xf32> to vector<1024x512xf32>
    %add3A_25 = vector.broadcast %broadcast_in_dim3A_23 : vector<1x512xf32> to vector<1024x512xf32>
    %add3A_26 = arith.addf %add3A, %add3A_25 : vector<1024x512xf32>
    %mul3A_27 = arith.constant 2.000000e+00 : f32
    %mul3A_28 = vector.broadcast %mul3A_27 : f32 to vector<1024x512xf32>
    %mul3A_29 = arith.mulf %mul3A_28, %dot_general3A_24 : vector<1024x512xf32>
    %sub3A = arith.subf %add3A_26, %mul3A_29 : vector<1024x512xf32>
    %iota3A = tpu.iota {dimensions = array<i32: 0>} : vector<1024x512xi32>
    %reduce_min3A = arith.constant dense<0x7F800000> : vector<512xf32>
    %reduce_min3A_30 = vector.multi_reduction <minimumf>, %sub3A, %reduce_min3A [0] : vector<1024x512xf32> to vector<512xf32>
    %broadcast_in_dim3A_31 = vector.shape_cast %reduce_min3A_30 : vector<512xf32> to vector<1x512xf32>
    %eq3A_32 = vector.broadcast %broadcast_in_dim3A_31 : vector<1x512xf32> to vector<1024x512xf32>
    %eq3A_33 = arith.cmpf oeq, %sub3A, %eq3A_32 : vector<1024x512xf32>
    %jit3A = arith.constant 2048 : i32
    %broadcast_in_dim3A_34 = vector.broadcast %jit3A : i32 to vector<1024x512xi32>
    %select_n3A = arith.select %eq3A_33, %iota3A, %broadcast_in_dim3A_34 : vector<1024x512xi1>, vector<1024x512xi32>
    %reduce_min3A_35 = arith.constant dense<2147483647> : vector<512xi32>
    %reduce_min3A_36 = vector.multi_reduction <minsi>, %select_n3A, %reduce_min3A_35 [0] : vector<1024x512xi32> to vector<512xi32>
    %broadcast_in_dim3A_37 = vector.shape_cast %reduce_min3A_36 : vector<512xi32> to vector<1x512xi32>
    %eq3A_38 = vector.broadcast %broadcast_in_dim3A_37 : vector<1x512xi32> to vector<1024x512xi32>
    %eq3A_39 = arith.cmpi eq, %iota3A, %eq3A_38 : vector<1024x512xi32>
    %max3A = arith.constant 0.000000e+00 : f32
    %max3A_40 = vector.broadcast %max3A : f32 to vector<1x512xf32>
    %max3A_41 = arith.maximumf %broadcast_in_dim3A_31, %max3A_40 : vector<1x512xf32>
    %add3A_42 = arith.constant 9.99999993E-9 : f32
    %add3A_43 = vector.broadcast %add3A_42 : f32 to vector<1x512xf32>
    %add3A_44 = arith.addf %max3A_41, %add3A_43 : vector<1x512xf32>
    %div3A = arith.constant 1.000000e+00 : f32
    %div3A_45 = vector.broadcast %div3A : f32 to vector<1x512xf32>
    %div3A_46 = arith.divf %div3A_45, %add3A_44 : vector<1x512xf32>
    %jit3A_47 = arith.constant 3.000000e+38 : f32
    %broadcast_in_dim3A_48 = vector.broadcast %jit3A_47 : f32 to vector<1024x512xf32>
    %select_n3A_49 = arith.select %eq3A_39, %broadcast_in_dim3A_48, %sub3A : vector<1024x512xi1>, vector<1024x512xf32>
    %reduce_min3A_50 = arith.constant dense<0x7F800000> : vector<512xf32>
    %reduce_min3A_51 = vector.multi_reduction <minimumf>, %select_n3A_49, %reduce_min3A_50 [0] : vector<1024x512xf32> to vector<512xf32>
    %broadcast_in_dim3A_52 = vector.shape_cast %reduce_min3A_51 : vector<512xf32> to vector<1x512xf32>
    %eq3A_53 = vector.broadcast %broadcast_in_dim3A_52 : vector<1x512xf32> to vector<1024x512xf32>
    %eq3A_54 = arith.cmpf oeq, %select_n3A_49, %eq3A_53 : vector<1024x512xf32>
    %jit3A_55 = arith.constant 2048 : i32
    %broadcast_in_dim3A_56 = vector.broadcast %jit3A_55 : i32 to vector<1024x512xi32>
    %select_n3A_57 = arith.select %eq3A_54, %iota3A, %broadcast_in_dim3A_56 : vector<1024x512xi1>, vector<1024x512xi32>
    %reduce_min3A_58 = arith.constant dense<2147483647> : vector<512xi32>
    %reduce_min3A_59 = vector.multi_reduction <minsi>, %select_n3A_57, %reduce_min3A_58 [0] : vector<1024x512xi32> to vector<512xi32>
    %broadcast_in_dim3A_60 = vector.shape_cast %reduce_min3A_59 : vector<512xi32> to vector<1x512xi32>
    %eq3A_61 = vector.broadcast %broadcast_in_dim3A_60 : vector<1x512xi32> to vector<1024x512xi32>
    %eq3A_62 = arith.cmpi eq, %iota3A, %eq3A_61 : vector<1024x512xi32>
    %max3A_63 = arith.constant 0.000000e+00 : f32
    %max3A_64 = vector.broadcast %max3A_63 : f32 to vector<1x512xf32>
    %max3A_65 = arith.maximumf %broadcast_in_dim3A_52, %max3A_64 : vector<1x512xf32>
    %add3A_66 = arith.constant 9.99999993E-9 : f32
    %add3A_67 = vector.broadcast %add3A_66 : f32 to vector<1x512xf32>
    %add3A_68 = arith.addf %max3A_65, %add3A_67 : vector<1x512xf32>
    %div3A_69 = arith.constant 1.000000e+00 : f32
    %div3A_70 = vector.broadcast %div3A_69 : f32 to vector<1x512xf32>
    %div3A_71 = arith.divf %div3A_70, %add3A_68 : vector<1x512xf32>
    %jit3A_72 = arith.constant 3.000000e+38 : f32
    %broadcast_in_dim3A_73 = vector.broadcast %jit3A_72 : f32 to vector<1024x512xf32>
    %select_n3A_74 = arith.select %eq3A_62, %broadcast_in_dim3A_73, %select_n3A_49 : vector<1024x512xi1>, vector<1024x512xf32>
    %reduce_min3A_75 = arith.constant dense<0x7F800000> : vector<512xf32>
    %reduce_min3A_76 = vector.multi_reduction <minimumf>, %select_n3A_74, %reduce_min3A_75 [0] : vector<1024x512xf32> to vector<512xf32>
    %broadcast_in_dim3A_77 = vector.shape_cast %reduce_min3A_76 : vector<512xf32> to vector<1x512xf32>
    %eq3A_78 = vector.broadcast %broadcast_in_dim3A_77 : vector<1x512xf32> to vector<1024x512xf32>
    %eq3A_79 = arith.cmpf oeq, %select_n3A_74, %eq3A_78 : vector<1024x512xf32>
    %jit3A_80 = arith.constant 2048 : i32
    %broadcast_in_dim3A_81 = vector.broadcast %jit3A_80 : i32 to vector<1024x512xi32>
    %select_n3A_82 = arith.select %eq3A_79, %iota3A, %broadcast_in_dim3A_81 : vector<1024x512xi1>, vector<1024x512xi32>
    %reduce_min3A_83 = arith.constant dense<2147483647> : vector<512xi32>
    %reduce_min3A_84 = vector.multi_reduction <minsi>, %select_n3A_82, %reduce_min3A_83 [0] : vector<1024x512xi32> to vector<512xi32>
    %broadcast_in_dim3A_85 = vector.shape_cast %reduce_min3A_84 : vector<512xi32> to vector<1x512xi32>
    %max3A_86 = arith.constant 0.000000e+00 : f32
    %max3A_87 = vector.broadcast %max3A_86 : f32 to vector<1x512xf32>
    %max3A_88 = arith.maximumf %broadcast_in_dim3A_77, %max3A_87 : vector<1x512xf32>
    %add3A_89 = arith.constant 9.99999993E-9 : f32
    %add3A_90 = vector.broadcast %add3A_89 : f32 to vector<1x512xf32>
    %add3A_91 = arith.addf %max3A_88, %add3A_90 : vector<1x512xf32>
    %div3A_92 = arith.constant 1.000000e+00 : f32
    %div3A_93 = vector.broadcast %div3A_92 : f32 to vector<1x512xf32>
    %div3A_94 = arith.divf %div3A_93, %add3A_91 : vector<1x512xf32>
    %add3A_95 = arith.addf %div3A_46, %div3A_71 : vector<1x512xf32>
    %add3A_96 = arith.addf %add3A_95, %div3A_94 : vector<1x512xf32>
    %div3A_97 = arith.constant 1.000000e+00 : f32
    %div3A_98 = vector.broadcast %div3A_97 : f32 to vector<1x512xf32>
    %div3A_99 = arith.divf %div3A_98, %add3A_96 : vector<1x512xf32>
    %mul3A_100 = arith.mulf %div3A_46, %div3A_99 : vector<1x512xf32>
    %mul3A_101 = arith.mulf %div3A_71, %div3A_99 : vector<1x512xf32>
    %mul3A_102 = arith.mulf %div3A_94, %div3A_99 : vector<1x512xf32>
    %concatenate3A = tpu.concatenate %broadcast_in_dim3A_37, %broadcast_in_dim3A_60, %broadcast_in_dim3A_85 in 0 : vector<1x512xi32>, vector<1x512xi32>, vector<1x512xi32> -> vector<3x512xi32>
    %swap3A_103 = arith.constant 0 : index
    %swap3A_104 = arith.constant 0 : index
    %swap3A_105 = arith.constant 0 : index
    %swap3A_106 = arith.constant 0 : index
    %swap3A_107 = vector.load %arg10[%swap3A_103, %swap3A_104, %swap3A_105, %swap3A_106] : memref<1x1x3x512xi32, #tpu.memory_space<vmem>>, vector<1x1x3x512xi32>
    %swap3A_108 = vector.shape_cast %swap3A_107 : vector<1x1x3x512xi32> to vector<3x512xi32>
    %swap3A_109 = vector.shape_cast %concatenate3A : vector<3x512xi32> to vector<1x1x3x512xi32>
    tpu.vector_store %arg10[%swap3A_103, %swap3A_104, %swap3A_105, %swap3A_106], %swap3A_109 {strides = array<i32>} : memref<1x1x3x512xi32, #tpu.memory_space<vmem>>, vector<1x1x3x512xi32>,
    %concatenate3A_110 = tpu.concatenate %mul3A_100, %mul3A_101, %mul3A_102 in 0 : vector<1x512xf32>, vector<1x512xf32>, vector<1x512xf32> -> vector<3x512xf32>
    %swap3A_111 = arith.constant 0 : index
    %swap3A_112 = arith.constant 0 : index
    %swap3A_113 = arith.constant 0 : index
    %swap3A_114 = arith.constant 0 : index
    %swap3A_115 = vector.load %arg11[%swap3A_111, %swap3A_112, %swap3A_113, %swap3A_114] : memref<1x1x3x512xf32, #tpu.memory_space<vmem>>, vector<1x1x3x512xf32>
    %swap3A_116 = vector.shape_cast %swap3A_115 : vector<1x1x3x512xf32> to vector<3x512xf32>
    %swap3A_117 = vector.shape_cast %concatenate3A_110 : vector<3x512xf32> to vector<1x1x3x512xf32>
    tpu.vector_store %arg11[%swap3A_111, %swap3A_112, %swap3A_113, %swap3A_114], %swap3A_117 {strides = array<i32>} : memref<1x1x3x512xf32, #tpu.memory_space<vmem>>, vector<1x1x3x512xf32>,
    return
  }
  func.func @transform_0(%arg0: i32, %arg1: i32) -> (i32, i32, i32) {
    %c0_i32 = arith.constant 0 : i32
    %c0_i32_0 = arith.constant 0 : i32
    %c0_i32_1 = arith.constant 0 : i32
    return %arg0, %c0_i32, %c0_i32_0 : i32, i32, i32
  }
  func.func @transform_1(%arg0: i32, %arg1: i32) -> (i32, i32, i32) {
    %c0_i32 = arith.constant 0 : i32
    %c0_i32_0 = arith.constant 0 : i32
    %c0_i32_1 = arith.constant 0 : i32
    return %arg0, %c0_i32, %c0_i32_0 : i32, i32, i32
  }
  func.func @transform_2(%arg0: i32, %arg1: i32) -> (i32, i32, i32) {
    %c0_i32 = arith.constant 0 : i32
    %c0_i32_0 = arith.constant 0 : i32
    %c0_i32_1 = arith.constant 0 : i32
    return %arg0, %c0_i32, %c0_i32_0 : i32, i32, i32
  }
  func.func @transform_3(%arg0: i32, %arg1: i32) -> (i32, i32) {
    %c0_i32 = arith.constant 0 : i32
    %c0_i32_0 = arith.constant 0 : i32
    %c0_i32_1 = arith.constant 0 : i32
    return %c0_i32, %c0_i32_0 : i32, i32
  }
  func.func @transform_4(%arg0: i32, %arg1: i32) -> (i32, i32) {
    %c0_i32 = arith.constant 0 : i32
    %c0_i32_0 = arith.constant 0 : i32
    %c0_i32_1 = arith.constant 0 : i32
    return %c0_i32, %c0_i32_0 : i32, i32
  }
  func.func @transform_5(%arg0: i32, %arg1: i32) -> (i32, i32, i32) {
    %c0_i32 = arith.constant 0 : i32
    %c0_i32_0 = arith.constant 0 : i32
    return %arg0, %c0_i32, %arg1 : i32, i32, i32
  }
  func.func @transform_6(%arg0: i32, %arg1: i32) -> (i32, i32, i32) {
    %c0_i32 = arith.constant 0 : i32
    %c0_i32_0 = arith.constant 0 : i32
    %c0_i32_1 = arith.constant 0 : i32
    return %arg0, %c0_i32, %c0_i32_0 : i32, i32, i32
  }
  func.func @transform_7(%arg0: i32, %arg1: i32) -> (i32, i32, i32) {
    %c0_i32 = arith.constant 0 : i32
    %c0_i32_0 = arith.constant 0 : i32
    %c0_i32_1 = arith.constant 0 : i32
    return %arg0, %c0_i32, %c0_i32_0 : i32, i32, i32
  }
  func.func @transform_8(%arg0: i32, %arg1: i32) -> (i32, i32, i32, i32) {
    %c0_i32 = arith.constant 0 : i32
    %c0_i32_0 = arith.constant 0 : i32
    %c0_i32_1 = arith.constant 0 : i32
    return %arg0, %arg1, %c0_i32, %c0_i32_0 : i32, i32, i32, i32
  }
  func.func @transform_9(%arg0: i32, %arg1: i32) -> (i32, i32, i32, i32) {
    %c0_i32 = arith.constant 0 : i32
    %c0_i32_0 = arith.constant 0 : i32
    %c0_i32_1 = arith.constant 0 : i32
    return %arg0, %arg1, %c0_i32, %c0_i32_0 : i32, i32, i32, i32
  }
}

module attributes {stable_mosaic.version = 14 : i64} {
  func.func @_mlp_body(%arg0: i32, %arg1: i32, %arg2: memref<1x1x12x1024xf32, #tpu.memory_space<vmem>>, %arg3: memref<12x12xf32, #tpu.memory_space<vmem>>, %arg4: memref<12x1xf32, #tpu.memory_space<vmem>>, %arg5: memref<24x12xf32, #tpu.memory_space<vmem>>, %arg6: memref<24x1xf32, #tpu.memory_space<vmem>>, %arg7: memref<8x24xf32, #tpu.memory_space<vmem>>, %arg8: memref<8x1xf32, #tpu.memory_space<vmem>>, %arg9: memref<8x24xf32, #tpu.memory_space<vmem>>, %arg10: memref<8x1xf32, #tpu.memory_space<vmem>>, %arg11: memref<1x1x8x1024xf32, #tpu.memory_space<vmem>>, %arg12: memref<1x1x8x1024xf32, #tpu.memory_space<vmem>>) attributes {dimension_semantics = [#tpu.dimension_semantics<arbitrary>, #tpu.dimension_semantics<arbitrary>], iteration_bounds = array<i64: 8, 4>, scalar_prefetch = 0 : i64, scratch_operands = 0 : i64, tpu.core_type = #tpu.core_type<tc>, window_params = [{transform_indices = @transform_0, window_bounds = array<i64: 1, 1, 12, 1024>}, {pipeline_mode = #tpu.pipeline_mode<synchronous>, transform_indices = @transform_1, window_bounds = array<i64: 12, 12>}, {pipeline_mode = #tpu.pipeline_mode<synchronous>, transform_indices = @transform_2, window_bounds = array<i64: 12, 1>}, {pipeline_mode = #tpu.pipeline_mode<synchronous>, transform_indices = @transform_3, window_bounds = array<i64: 24, 12>}, {pipeline_mode = #tpu.pipeline_mode<synchronous>, transform_indices = @transform_4, window_bounds = array<i64: 24, 1>}, {pipeline_mode = #tpu.pipeline_mode<synchronous>, transform_indices = @transform_5, window_bounds = array<i64: 8, 24>}, {pipeline_mode = #tpu.pipeline_mode<synchronous>, transform_indices = @transform_6, window_bounds = array<i64: 8, 1>}, {pipeline_mode = #tpu.pipeline_mode<synchronous>, transform_indices = @transform_7, window_bounds = array<i64: 8, 24>}, {pipeline_mode = #tpu.pipeline_mode<synchronous>, transform_indices = @transform_8, window_bounds = array<i64: 8, 1>}, {transform_indices = @transform_9, window_bounds = array<i64: 1, 1, 8, 1024>}, {transform_indices = @transform_10, window_bounds = array<i64: 1, 1, 8, 1024>}]} {
    %get3A = arith.constant 0 : index
    %get3A_0 = arith.constant 0 : index
    %get3A_1 = arith.constant 0 : index
    %get3A_2 = arith.constant 0 : index
    %get3A_3 = vector.load %arg2[%get3A, %get3A_0, %get3A_1, %get3A_2] : memref<1x1x12x1024xf32, #tpu.memory_space<vmem>>, vector<1x1x12x1024xf32>
    %get3A_4 = vector.shape_cast %get3A_3 : vector<1x1x12x1024xf32> to vector<12x1024xf32>
    %get3A_5 = arith.constant 0 : index
    %get3A_6 = arith.constant 0 : index
    %get3A_7 = vector.load %arg3[%get3A_5, %get3A_6] : memref<12x12xf32, #tpu.memory_space<vmem>>, vector<12x12xf32>
    %dot_general3A = arith.constant dense<0.000000e+00> : vector<12x1024xf32>
    %dot_general3A_8 = tpu.matmul %get3A_7, %get3A_4, %dot_general3A {dimension_numbers = #tpu.dot_dimension_numbers<[1], [0], [0], [1], [0, 0, 1, 1], [], []>, transpose_lhs_hint = false} : vector<12x12xf32>, vector<12x1024xf32>, vector<12x1024xf32> -> vector<12x1024xf32>
    %get3A_9 = arith.constant 0 : index
    %get3A_10 = arith.constant 0 : index
    %get3A_11 = vector.load %arg4[%get3A_9, %get3A_10] : memref<12x1xf32, #tpu.memory_space<vmem>>, vector<12x1xf32>
    %add3A = vector.broadcast %get3A_11 : vector<12x1xf32> to vector<12x1024xf32>
    %add3A_12 = arith.addf %dot_general3A_8, %add3A : vector<12x1024xf32>
    %max3A = arith.constant 0.000000e+00 : f32
    %max3A_13 = vector.broadcast %max3A : f32 to vector<12x1024xf32>
    %max3A_14 = arith.maximumf %add3A_12, %max3A_13 : vector<12x1024xf32>
    %get3A_15 = arith.constant 0 : index
    %get3A_16 = arith.constant 0 : index
    %get3A_17 = vector.load %arg5[%get3A_15, %get3A_16] : memref<24x12xf32, #tpu.memory_space<vmem>>, vector<24x12xf32>
    %dot_general3A_18 = arith.constant dense<0.000000e+00> : vector<24x1024xf32>
    %dot_general3A_19 = tpu.matmul %get3A_17, %max3A_14, %dot_general3A_18 {dimension_numbers = #tpu.dot_dimension_numbers<[1], [0], [0], [1], [0, 0, 1, 1], [], []>, transpose_lhs_hint = false} : vector<24x12xf32>, vector<12x1024xf32>, vector<24x1024xf32> -> vector<24x1024xf32>
    %get3A_20 = arith.constant 0 : index
    %get3A_21 = arith.constant 0 : index
    %get3A_22 = vector.load %arg6[%get3A_20, %get3A_21] : memref<24x1xf32, #tpu.memory_space<vmem>>, vector<24x1xf32>
    %add3A_23 = vector.broadcast %get3A_22 : vector<24x1xf32> to vector<24x1024xf32>
    %add3A_24 = arith.addf %dot_general3A_19, %add3A_23 : vector<24x1024xf32>
    %max3A_25 = arith.constant 0.000000e+00 : f32
    %max3A_26 = vector.broadcast %max3A_25 : f32 to vector<24x1024xf32>
    %max3A_27 = arith.maximumf %add3A_24, %max3A_26 : vector<24x1024xf32>
    %get3A_28 = arith.constant 0 : index
    %get3A_29 = arith.constant 0 : index
    %get3A_30 = vector.load %arg7[%get3A_28, %get3A_29] : memref<8x24xf32, #tpu.memory_space<vmem>>, vector<8x24xf32>
    %dot_general3A_31 = arith.constant dense<0.000000e+00> : vector<8x1024xf32>
    %dot_general3A_32 = tpu.matmul %get3A_30, %max3A_27, %dot_general3A_31 {dimension_numbers = #tpu.dot_dimension_numbers<[1], [0], [0], [1], [0, 0, 1, 1], [], []>, transpose_lhs_hint = false} : vector<8x24xf32>, vector<24x1024xf32>, vector<8x1024xf32> -> vector<8x1024xf32>
    %get3A_33 = arith.constant 0 : index
    %get3A_34 = arith.constant 0 : index
    %get3A_35 = vector.load %arg8[%get3A_33, %get3A_34] : memref<8x1xf32, #tpu.memory_space<vmem>>, vector<8x1xf32>
    %add3A_36 = vector.broadcast %get3A_35 : vector<8x1xf32> to vector<8x1024xf32>
    %add3A_37 = arith.addf %dot_general3A_32, %add3A_36 : vector<8x1024xf32>
    %max3A_38 = arith.constant 0.000000e+00 : f32
    %max3A_39 = vector.broadcast %max3A_38 : f32 to vector<8x1024xf32>
    %max3A_40 = arith.maximumf %add3A_37, %max3A_39 : vector<8x1024xf32>
    %swap3A = arith.constant 0 : index
    %swap3A_41 = arith.constant 0 : index
    %swap3A_42 = arith.constant 0 : index
    %swap3A_43 = arith.constant 0 : index
    %swap3A_44 = vector.load %arg11[%swap3A, %swap3A_41, %swap3A_42, %swap3A_43] : memref<1x1x8x1024xf32, #tpu.memory_space<vmem>>, vector<1x1x8x1024xf32>
    %swap3A_45 = vector.shape_cast %swap3A_44 : vector<1x1x8x1024xf32> to vector<8x1024xf32>
    %swap3A_46 = vector.shape_cast %max3A_40 : vector<8x1024xf32> to vector<1x1x8x1024xf32>
    tpu.vector_store %arg11[%swap3A, %swap3A_41, %swap3A_42, %swap3A_43], %swap3A_46 {strides = array<i32>} : memref<1x1x8x1024xf32, #tpu.memory_space<vmem>>, vector<1x1x8x1024xf32>,
    %get3A_47 = arith.constant 0 : index
    %get3A_48 = arith.constant 0 : index
    %get3A_49 = vector.load %arg9[%get3A_47, %get3A_48] : memref<8x24xf32, #tpu.memory_space<vmem>>, vector<8x24xf32>
    %dot_general3A_50 = arith.constant dense<0.000000e+00> : vector<8x1024xf32>
    %dot_general3A_51 = tpu.matmul %get3A_49, %max3A_27, %dot_general3A_50 {dimension_numbers = #tpu.dot_dimension_numbers<[1], [0], [0], [1], [0, 0, 1, 1], [], []>, transpose_lhs_hint = false} : vector<8x24xf32>, vector<24x1024xf32>, vector<8x1024xf32> -> vector<8x1024xf32>
    %get3A_52 = arith.constant 0 : index
    %get3A_53 = arith.constant 0 : index
    %get3A_54 = vector.load %arg10[%get3A_52, %get3A_53] : memref<8x1xf32, #tpu.memory_space<vmem>>, vector<8x1xf32>
    %add3A_55 = vector.broadcast %get3A_54 : vector<8x1xf32> to vector<8x1024xf32>
    %add3A_56 = arith.addf %dot_general3A_51, %add3A_55 : vector<8x1024xf32>
    %max3A_57 = arith.constant 0.000000e+00 : f32
    %max3A_58 = vector.broadcast %max3A_57 : f32 to vector<8x1024xf32>
    %max3A_59 = arith.maximumf %add3A_56, %max3A_58 : vector<8x1024xf32>
    %swap3A_60 = arith.constant 0 : index
    %swap3A_61 = arith.constant 0 : index
    %swap3A_62 = arith.constant 0 : index
    %swap3A_63 = arith.constant 0 : index
    %swap3A_64 = vector.load %arg12[%swap3A_60, %swap3A_61, %swap3A_62, %swap3A_63] : memref<1x1x8x1024xf32, #tpu.memory_space<vmem>>, vector<1x1x8x1024xf32>
    %swap3A_65 = vector.shape_cast %swap3A_64 : vector<1x1x8x1024xf32> to vector<8x1024xf32>
    %swap3A_66 = vector.shape_cast %max3A_59 : vector<8x1024xf32> to vector<1x1x8x1024xf32>
    tpu.vector_store %arg12[%swap3A_60, %swap3A_61, %swap3A_62, %swap3A_63], %swap3A_66 {strides = array<i32>} : memref<1x1x8x1024xf32, #tpu.memory_space<vmem>>, vector<1x1x8x1024xf32>,
    return
  }
  func.func @transform_0(%arg0: i32, %arg1: i32) -> (i32, i32, i32, i32) {
    %c0_i32 = arith.constant 0 : i32
    %c0_i32_0 = arith.constant 0 : i32
    %c0_i32_1 = arith.constant 0 : i32
    return %arg0, %arg1, %c0_i32, %c0_i32_0 : i32, i32, i32, i32
  }
  func.func @transform_1(%arg0: i32, %arg1: i32) -> (i32, i32) {
    %c0_i32 = arith.constant 0 : i32
    %c0_i32_0 = arith.constant 0 : i32
    %c0_i32_1 = arith.constant 0 : i32
    return %c0_i32, %c0_i32_0 : i32, i32
  }
  func.func @transform_2(%arg0: i32, %arg1: i32) -> (i32, i32) {
    %c0_i32 = arith.constant 0 : i32
    %c0_i32_0 = arith.constant 0 : i32
    %c0_i32_1 = arith.constant 0 : i32
    return %c0_i32, %c0_i32_0 : i32, i32
  }
  func.func @transform_3(%arg0: i32, %arg1: i32) -> (i32, i32) {
    %c0_i32 = arith.constant 0 : i32
    %c0_i32_0 = arith.constant 0 : i32
    %c0_i32_1 = arith.constant 0 : i32
    return %c0_i32, %c0_i32_0 : i32, i32
  }
  func.func @transform_4(%arg0: i32, %arg1: i32) -> (i32, i32) {
    %c0_i32 = arith.constant 0 : i32
    %c0_i32_0 = arith.constant 0 : i32
    %c0_i32_1 = arith.constant 0 : i32
    return %c0_i32, %c0_i32_0 : i32, i32
  }
  func.func @transform_5(%arg0: i32, %arg1: i32) -> (i32, i32) {
    %c0_i32 = arith.constant 0 : i32
    %c0_i32_0 = arith.constant 0 : i32
    %c0_i32_1 = arith.constant 0 : i32
    return %c0_i32, %c0_i32_0 : i32, i32
  }
  func.func @transform_6(%arg0: i32, %arg1: i32) -> (i32, i32) {
    %c0_i32 = arith.constant 0 : i32
    %c0_i32_0 = arith.constant 0 : i32
    %c0_i32_1 = arith.constant 0 : i32
    return %c0_i32, %c0_i32_0 : i32, i32
  }
  func.func @transform_7(%arg0: i32, %arg1: i32) -> (i32, i32) {
    %c0_i32 = arith.constant 0 : i32
    %c0_i32_0 = arith.constant 0 : i32
    %c0_i32_1 = arith.constant 0 : i32
    return %c0_i32, %c0_i32_0 : i32, i32
  }
  func.func @transform_8(%arg0: i32, %arg1: i32) -> (i32, i32) {
    %c0_i32 = arith.constant 0 : i32
    %c0_i32_0 = arith.constant 0 : i32
    %c0_i32_1 = arith.constant 0 : i32
    return %c0_i32, %c0_i32_0 : i32, i32
  }
  func.func @transform_9(%arg0: i32, %arg1: i32) -> (i32, i32, i32, i32) {
    %c0_i32 = arith.constant 0 : i32
    %c0_i32_0 = arith.constant 0 : i32
    %c0_i32_1 = arith.constant 0 : i32
    return %arg0, %arg1, %c0_i32, %c0_i32_0 : i32, i32, i32, i32
  }
  func.func @transform_10(%arg0: i32, %arg1: i32) -> (i32, i32, i32, i32) {
    %c0_i32 = arith.constant 0 : i32
    %c0_i32_0 = arith.constant 0 : i32
    %c0_i32_1 = arith.constant 0 : i32
    return %arg0, %arg1, %c0_i32, %c0_i32_0 : i32, i32, i32, i32
  }
}

</mosaic_0001>

<sc_bundles>
// kernel: kernel.5.cloned.1.call-start
scs
__scs_entry_jumppad:
0x0: {  	(pc) =	sbr.rel $0x88, $3  }
0x1: {  	(tag) =	ssettag $0x0;
	lr =	simm.s32 $0x1  }
0x2: {  	[smem:$0x3F93] =	sst lr;
	_ =	strace $0xD0000000  }
0x3: {  	_ = 	snop  }
0x4: {  	_ = 	snop  }
0x5: {  	_ = 	snop  }
0x6: {  	_ = 	snop  }
0x7: {  	_ = 	snop  }
__scs_overlays_trampoline_lowered:
0x8: {  	[smem:$0x3FA2] =	sst s0  }
0x9: {  	[smem:$0x3FA3] =	sst s1  }
0xa: {  	[smem:$0x3FA4] =	sst s2  }
0xb: {  	[smem:$0x3FA5] =	sst s3  }
0xc: {  	[smem:$0x3FA6] =	sst s4  }
0xd: {  	[smem:$0x3FA7] =	sst s5  }
0xe: {  	[smem:$0x3FA8] =	sst s6  }
0xf: {  	[smem:$0x3FA9] =	sst s7  }
0x10: {  	[smem:$0x3FAA] =	sst s8  }
0x11: {  	[smem:$0x3FAB] =	sst s9;
	s0 =	simm.s32 @!p0 $0x0  }
0x12: {  	s1 =	sld [smem:$0x3F91];
	s0 =	simm.s32 @p0 $0x1  }
0x13: {  	[smem:$0x3FAC] =	sst s0;
	s0 =	simm.s32 @!p1 $0x0  }
0x14: {  	s2 =	sld [smem:$0x3F90];
	s0 =	simm.s32 @p1 $0x1  }
0x15: {  	[smem:$0x3FAD] =	sst s0;
	s0 =	simm.s32 @!p2 $0x0  }
0x16: {  	s3 =	sld [smem:$0x3FDB];
	s0 =	simm.s32 @p2 $0x1  }
0x17: {  	s4 =	simm.s32 $0x1BF5;
	[smem:$0x3FAF] =	sst s0  }
0x18: {  	s0 =	sld [smem:$0x3F92];
	_ =	swait.ge [sflag:s4], $0x0  }
0x19: {  	s7 =	sld [smem:$0x3F93]  }
0x1a: {  	s8 =	sadd.s32 $0xFFFFE003, lr  }
0x1b: {  	s9 =	sadd.s32 $0xFFFFFEF7, lr;
	s5 =	simm.s32 $0xFFFFFFFF;
	p2 =	slt.u32 s8, $0xFFFFF086  }
0x1c: {  	p1 =	slt.u32 s9, $0xF7A;
	s5 =	simm.s32 @!p2 $0x0  }
0x1d: {  	s5 =	simm.s32 @p1 $0x1;
	p0 =	seq.s32 s7, s2  }
0x1e: {  	s7 =	smul.u32 @!p0 $0xF7A, s2;
	p2 =	seq.s32 @!p0 s5, $0x0  }
0x1f: {  	s9 =	smul.u32 $0xF7A, s1;
	s8 =	simm.s32 @!p0 $0x1BF5;
	p2 =	por !p2, p0  }
0x20: {  	[sflag:s8] =	ssyncset.s32 @!p0 $0xFFFFF086;
	s6 =	sadd.s32 @!p0 s3, s7;
	s7 =	simm.s32 @!p0 $0x108  }
0x21: {  	s3 =	sadd.s32 s3, s9;
	s6 =	sadd.s32 @!p0 $0x88, s6;
	s7 =	simm.s32 @p2 $0x1082  }
0x22: {  	[simem:s7], [sflag:s8] =	dma.local @!p0 [hbm:s6], $0xF7A  }
0x23: {  	s9 =	sor.u32 $0xD0000000, s2;
	s6 =	simm.s32 $0x108;
	_ =	swait.ge @!p0 [sflag:s8], $0x0  }
0x24: {  	s3 =	sadd.s32 $0x88, s3;
	s6 =	simm.s32 @!p1 $0x1082;
	[sflag:s4] =	ssyncset.s32 $0xFFFFF086  }
0x25: {  	[simem:s6], [sflag:s4] =	dma.local [hbm:s3], $0xF7A  }
0x26: {  	[smem:$0x3F93] =	sst s1;
	(tag) =	ssettag s2;
	_ =	strace s9  }
0x27: {  	s1 =	sld [smem:$0x3FA3]  }
0x28: {  	s2 =	sld [smem:$0x3FA4]  }
0x29: {  	s4 =	sld [smem:$0x3FA6]  }
0x2a: {  	p0 =	seq.s32 s5, $0x0;
	s5 =	sld [smem:$0x3FA7]  }
0x2b: {  	s6 =	sld [smem:$0x3FA8]  }
0x2c: {  	s7 =	sld [smem:$0x3FA9]  }
0x2d: {  	s3 =	simm.s32 $0x108;
	s8 =	sld [smem:$0x3FAA]  }
0x2e: {  	s3 =	simm.s32 @!p0 $0x1082;
	s9 =	sld [smem:$0x3FAB]  }
0x2f: {  	lr =	sadd.s32 s0, s3;
	s0 =	sld [smem:$0x3FA2]  }
0x30: {  	s3 =	sld [smem:$0x3FA5]  }
0x31: {  	[smem:$0x3FAE] =	sst s10  }
0x32: {  	s10 =	sld [smem:$0x3FAC];
	_ =	sdelay $0x3  }
0x33: {  	p0 =	seq.s32 s10, $0x1;
	s10 =	sld [smem:$0x3FAE];
	_ =	sdelay $0x3  }
0x34: {  	[smem:$0x3FAE] =	sst s10  }
0x35: {  	s10 =	sld [smem:$0x3FAD];
	_ =	sdelay $0x3  }
0x36: {  	p1 =	seq.s32 s10, $0x1;
	s10 =	sld [smem:$0x3FAE];
	_ =	sdelay $0x3  }
0x37: {  	[smem:$0x3FAE] =	sst s10  }
0x38: {  	s10 =	sld [smem:$0x3FAF]  }
0x39: {  	_ = 	snop;
	(pc) =	sbr.ind lr, $3  }
0x3a: {  	_ = 	snop  }
0x3b: {  	_ = 	snop  }
0x3c: {  	p2 =	seq.s32 s10, $0x1;
	s10 =	sld [smem:$0x3FAE]  }
0x3d: {  	_ =	shalt  }
0x3e: {  	_ =	shalt  }
0x3f: {  	_ =	shalt  }
0x40: {  	_ =	shalt  }
0x41: {  	_ =	shalt  }
0x42: {  	_ =	shalt  }
0x43: {  	_ =	shalt  }
0x44: {  	_ =	shalt  }
0x45: {  	_ =	shalt  }
0x46: {  	_ =	shalt  }
0x47: {  	_ =	shalt  }
0x48: {  	_ =	shalt  }
0x49: {  	_ =	shalt  }
0x4a: {  	_ =	shalt  }
0x4b: {  	_ =	shalt  }
0x4c: {  	_ =	shalt  }
0x4d: {  	_ =	shalt  }
0x4e: {  	_ =	shalt  }
0x4f: {  	_ =	shalt  }
0x50: {  	_ =	shalt  }
0x51: {  	_ =	shalt  }
0x52: {  	_ =	shalt  }
0x53: {  	_ =	shalt  }
0x54: {  	_ =	shalt  }
0x55: {  	_ =	shalt  }
0x56: {  	_ =	shalt  }
0x57: {  	_ =	shalt  }
0x58: {  	_ =	shalt  }
0x59: {  	_ =	shalt  }
0x5a: {  	_ =	shalt  }
0x5b: {  	_ =	shalt  }
0x5c: {  	_ =	shalt  }
0x5d: {  	_ =	shalt  }
0x5e: {  	_ =	shalt  }
0x5f: {  	_ =	shalt  }
0x60: {  	_ =	shalt  }
0x61: {  	_ =	shalt  }
0x62: {  	_ =	shalt  }
0x63: {  	_ =	shalt  }
0x64: {  	_ =	shalt  }
0x65: {  	_ =	shalt  }
0x66: {  	_ =	shalt  }
0x67: {  	_ =	shalt  }
0x68: {  	_ =	shalt  }
0x69: {  	_ =	shalt  }
0x6a: {  	_ =	shalt  }
0x6b: {  	_ =	shalt  }
0x6c: {  	_ =	shalt  }
0x6d: {  	_ =	shalt  }
0x6e: {  	_ =	shalt  }
0x6f: {  	_ =	shalt  }
0x70: {  	_ =	shalt  }
0x71: {  	_ =	shalt  }
0x72: {  	_ =	shalt  }
0x73: {  	_ =	shalt  }
0x74: {  	_ =	shalt  }
0x75: {  	_ =	shalt  }
0x76: {  	_ =	shalt  }
0x77: {  	_ =	shalt  }
0x78: {  	_ =	shalt  }
0x79: {  	_ =	shalt  }
0x7a: {  	_ =	shalt  }
0x7b: {  	_ =	shalt  }
0x7c: {  	_ =	shalt  }
0x7d: {  	_ =	shalt  }
0x7e: {  	_ =	shalt  }
0x7f: {  	_ =	shalt  }
0x80: {  	_ =	shalt  }
0x81: {  	_ =	shalt  }
0x82: {  	_ =	shalt  }
0x83: {  	_ =	shalt  }
0x84: {  	_ =	shalt  }
0x85: {  	_ =	shalt  }
0x86: {  	_ =	shalt  }
0x87: {  	_ =	shalt  }
.Lfunc_end0:
.L_simem_size_0:
called_computation_lowered:
.L_overlay_start_0:
0x88: {  	s2 =	sld [smem:$0x3FD9]  }
0x89: {  	s3 =	sld [smem:$0x3FFE];
	_ =	sdelay $0x1  }
0x8a: {  	s1 =	srdreg.scid  }
0x8b: {  	s0 =	sand.u32 $0x1, s1  }
0x8c: {  	s14 =	sshll.u32 s0, $0xA;
	s2 =	sadd.s32 s3, s2  }
0x8d: {  	s2 =	sadd.s32 s2, s14  }
0x8e: {  	[smem:$0x3FBA] =	sst s2  }
0x8f: {  	_ = 	snop  }
0x90: {  	s2 =	sld [smem:$0x3FD0];
	_ =	sdelay $0x2  }
0x91: {  	s15 =	simm.s32 $0xA;
	s4 =	simm.s32 $0x10  }
0x92: {  	[smem:s4], [sflag:s15] =	dma.local [hbm:s2], $0x1  }
0x93: {  	_ =	swait.eq [sflag:s15], $0x1  }
0x94: {  	[sflag:s15] =	ssyncset.done $0x0  }
0x95: {  	s16 =	sld [smem:$0x10];
	[sflag:s15] =	ssyncadd.s32 $0xFFFFFFFF  }
0x96: {  	s17 =	sld [smem:$0x11];
	(tm) =	ssettm $0x1  }
0x97: {  	s18 =	sld [smem:$0x3FFB];
	_ =	sdelay $0x3  }
0x98: {  	_ =	strace s18  }
0x99: {  	s4 =	sld [smem:$0x3FFC];
	_ =	sdelay $0x3  }
0x9a: {  	_ =	strace s4  }
0x9b: {  	s4 =	sld [smem:$0x3FFD];
	_ =	sdelay $0x3  }
0x9c: {  	_ =	strace s4  }
0x9d: {  	_ =	strace $0x8FFFFFFF  }
0x9e: {  	s19 =	sld [smem:$0x3FDB];
	_ =	sdelay $0x1  }
0x9f: {  	s5 =	simm.s32 $_scs_section_size  }
0xa0: {  	s6 =	simm.s32 $_size__tile_overlayer_lowered;
	s7 =	simm.s32 $_tile_overlayer_lowered  }
0xa1: {  	s22 =	simm.s32 $0x1BFF;
	s21 =	sshll.u32 s7, $0x1;
	s4 =	sadd.s32 s5, s19  }
0xa2: {  	s8 =	simm.s32 $0x0;
	s20 =	sshll.u32 s6, $0x1;
	s6 =	sadd.s32 s21, s4  }
0xa3: {  	[timem:s8], [sflag:s22] =	dma.local [hbm:s6], s20  }
0xa4: {  	_ =	swait.ge [sflag:s22], s20  }
0xa5: {  	s5 =	ssub.s32 $0x0, s20;
	[sflag:s22] =	ssyncset.done $0x0  }
0xa6: {  	[sflag:s22] =	ssyncadd.s32 s5;
	_ =	sdelay $0x1  }
0xa7: {  	s23 =	simm.s32 $0x1B8B  }
0xa8: {  	_ =	swait.ge [sflag:s23], $0x1  }
0xa9: {  	[sflag:s23] =	ssyncset.done $0x0  }
0xaa: {  	s25 =	simm.s32 $0x1B8E;
	s24 =	sld [smem:$0x3FFE];
	[sflag:s23] =	ssyncadd.s32 $0xFFFFFFFF  }
0xab: {  	s26 =	simm.s32 $execute0_lowered;
	[smem:$0x3FD2] =	sst s25  }
0xac: {  	s6 =	sshll.u32 s26, $0x1;
	_ =	strace $0x80000046;
	[dreg:$0x1] =	wrdreg $0xFFFFFFFF  }
0xad: {  	s28 =	simm.s32 $_size_execute0_lowered;
	s4 =	sadd.s32 s4, s6;
	[dreg:$0x0] =	wrdreg $0x0  }
0xae: {  	s6 =	sshll.u32 s28, $0x1;
	[dreg:$0x2] =	wrdreg s4  }
0xaf: {  	[dreg:$0x3] =	wrdreg s6  }
0xb0: {  	[dreg:$0x4] =	wrdreg $0xC0  }
0xb1: {  	_ =	task [dreg:s8], $0x5FFFF  }
0xb2: {  	[dreg:$0x1] =	wrdreg $0xFFFFFFFF  }
0xb3: {  	[dreg:$0x0] =	wrdreg $0x60  }
0xb4: {  	[dreg:$0x2] =	wrdreg s24  }
0xb5: {  	[dreg:$0x3] =	wrdreg s17  }
0xb6: {  	[dreg:$0x4] =	wrdreg s16  }
0xb7: {  	[dreg:$0x5] =	wrdreg $0x9  }
0xb8: {  	_ =	task.clear_ibuf [dreg:s8], $0x6FFFF;
	_ =	strace $0x90000046  }
0xb9: {  	s29 =	simm.s32 $0x9;
	_ =	strace $0x80000048  }
0xba: {  	_ =	swait.ge [sflag:s29], $0x1  }
0xbb: {  	[sflag:s29] =	ssyncadd.s32 $0xFFFFFFFF  }
0xbc: {  	_ =	strace $0x90000048  }
0xbd: {  	_ =	sfence  }
0xbe: {  	s30 =	sld [smem:$0x0];
	_ =	sdelay $0x2  }
0xbf: {  	s31 =	sshll.u32 s1, $0xD;
	s1 =	sshrl.u32 s1, $0x2  }
0xc0: {  	s3 =	sand.u32 $0x4000, s31;
	s1 =	sadd.s32 s1, s30  }
0xc1: {  	s0 =	sor.u32 s3, s0;
	s1 =	sshll.u32 s1, $0x11  }
0xc2: {  	s0 =	sor.u32 s1, s0  }
0xc3: {  	s0 =	sadd.s32 $0x8F2B, s0  }
0xc4: {  	[sflag:s0] =	ssyncadd.remote.s32 $0x1  }
0xc5: {  	_ =	sfence.sel $0xFFFF  }
0xc6: {  	[dreg:$0x0] =	wrdreg $0xFFFFFFFF;
	(pc) =	sbr.abs _section_cstart, $3  }
0xc7: {  	[dreg:$0x1] =	wrdreg $0xFFFFFFFF  }
0xc8: {  	_ =	task.clear_ibuf [dreg:s8], $0x2FFFF;
	_ =	strace $0x9FFFFFFF  }
0xc9: {  	(tm) =	ssettm $0x7FFFFFFF  }
tec
execute0_lowered:
.L_overlay_start_1:
0x0: {  	(tag) =	ssettag $0x1  }
0x1: {  	s3 =	rddreg [dreg:$0x0]  }
0x2: {  	s5 =	rddreg [dreg:$0x1]  }
0x3: {  	s7 =	rddreg [dreg:$0x2]  }
0x4: {  	s0 =	rddreg [dreg:$0x3]  }
0x5: {  	s2 =	simm.s32 $0x0;
	s1 =	stileid.u32;
	s8 =	srdreg.scid  }
0x6: {  	s12 =	simm.s32 $0x1;
	s13 =	simm.s32 $0x3000;
	s14 =	simm.s32 $0x3800  }
0x7: {  	s15 =	simm.s32 $0x4000;
	s16 =	simm.s32 $0x4800;
	s17 =	simm.s32 $0x5000  }
0x8: {  	s18 =	simm.s32 $0x0;
	[smem:$0x7FF] =	sst s2;
	s4 =	sshrl.u32 s1, $0x1  }
0x9: {  	s9 =	sshll.u32 s1, $0x1;
	s8 =	sand.u32 $0x1, s8;
	_ =	strace $0x80000047  }
0xa: {  	s6 =	sshll.u32 s4, $0x4;
	s10 =	sshll.u32 s4, $0xD;
	s9 =	sand.u32 $0x2, s9  }
0xb: {  	s29 =	ssub.s32 $0x2, s8;
	s4 =	sshll.u32 s4, $0xB;
	s6 =	sadd.s32 s6, s3  }
0xc: {  	s10 =	sadd.s32 s10, s3;
	s8 =	sor.u32 s8, s9;
	s30 =	sshrl.u32 s29, $0x1  }
0xd: {  	s11 =	sshll.u32 s8, $0x9;
	s9 =	ssub.s32 s29, s30;
	s8 =	sshll.u32 s8, $0xB  }
0xe: {  	s3 =	sadd.s32 $0x2A00, s6;
	s31 =	sor.u32 s4, s11;
	s8 =	sadd.s32 s8, s10  }
0xf: {  	s9 =	smax.u32 s9, $0x1;
	s10 =	simm.s32 $0x80;
	s4 =	sadd.s32 s5, s31  }
0x10: {  	s11 =	sor.u32 $0x100, s31;
	s6 =	sadd.s32 s7, s31;
	s8 =	sadd.s32 $0x5A00, s8  }
0x11: {  	s5 =	sadd.s32 s5, s11;
	s7 =	sadd.s32 s7, s11;
	s11 =	simm.s32 $0x400  }
.LBB2_1:
0x12: {  	[tilespmem:s2], [sflag:$0x1] =	stream.strided.gather [hbm4b:s3+s10], $0x3000, s11, s10, $0x38;
	[tilespmem:$0x9000] =	vst v63  }
0x13: {  	_ =	swait.ge [sflag:s12], $0x3000  }
0x14: {  	[sflag:s12] =	ssyncset.done $0x0  }
0x15: {  	[sflag:s12] =	ssyncadd.s32 $0xFFFFD000  }
0x16: {  	[tilespmem:s13], [sflag:$0x1] =	stream.linear.gather [hbm4b:s4+s2], $0x800, $0x38;
	[tilespmem:$0x9000] =	vst v63  }
0x17: {  	_ =	swait.ge [sflag:s12], $0x800  }
0x18: {  	[sflag:s12] =	ssyncset.done $0x0  }
0x19: {  	[sflag:s12] =	ssyncadd.s32 $0xFFFFF800  }
0x1a: {  	[tilespmem:s14], [sflag:$0x1] =	stream.linear.gather [hbm4b:s5+s2], $0x800, $0x38;
	[tilespmem:$0x9000] =	vst v63  }
0x1b: {  	_ =	swait.ge [sflag:s12], $0x800  }
0x1c: {  	[sflag:s12] =	ssyncset.done $0x0  }
0x1d: {  	[sflag:s12] =	ssyncadd.s32 $0xFFFFF800  }
0x1e: {  	[tilespmem:s15], [sflag:$0x1] =	stream.linear.gather [hbm4b:s6+s2], $0x800, $0x38;
	[tilespmem:$0x9000] =	vst v63  }
0x1f: {  	_ =	swait.ge [sflag:s12], $0x800  }
0x20: {  	[sflag:s12] =	ssyncset.done $0x0  }
0x21: {  	[sflag:s12] =	ssyncadd.s32 $0xFFFFF800  }
0x22: {  	[tilespmem:s16], [sflag:$0x1] =	stream.linear.gather [hbm4b:s7+s2], $0x800, $0x38;
	[tilespmem:$0x9000] =	vst v63  }
0x23: {  	s19 =	simm.s32 $0x0;
	_ =	swait.ge [sflag:s12], $0x800  }
0x24: {  	s20 =	sand.u32 $0x70, s2;
	s19 =	sand.u32 $0xFFFFFE00, s19;
	[sflag:s12] =	ssyncset.done $0x0  }
0x25: {  	s19 =	sor.u32 s20, s19;
	[sflag:s12] =	ssyncadd.s32 $0xFFFFF800  }
0x26: {  	v4 =	vld [tilespmem:s19+$0x3000]  }
0x27: {  	v5 =	vld [tilespmem:s19+$0x3080];
	_ =	sdelay $0x1  }
0x28: {  	v3 =	vld [tilespmem:s19+$0x3100];
	_ =	sdelay $0x2  }
0x29: {  	v0 =	vld [tilespmem:s19+$0x4000]  }
0x2a: {  	v1 =	vld [tilespmem:s19+$0x4080]  }
0x2b: {  	v6 =	vld.idx.msk [tilespmem:v4+s2+$0x0], $0xffff  }
0x2c: {  	v7 =	vld.idx.msk [tilespmem:v5+s2+$0x0], $0xffff  }
0x2d: {  	v2 =	vld [tilespmem:s19+$0x4100]  }
0x2e: {  	v8 =	vld.idx.msk [tilespmem:v3+s2+$0x0], $0xffff;
	_ =	sdelay $0x2  }
0x2f: {  	v6 =	vmul.f32 v6, v0;
	v7 =	vmul.f32 v7, v1;
	_ =	sdelay $0x1  }
0x30: {  	v6 =	vadd.f32 v7, v6;
	v7 =	vmul.f32 v8, v2;
	v8 =	vadd.s32 $0x400, v4  }
0x31: {  	s31 =	simm.s32 $0x0;
	v9 =	vadd.s32 $0x400, v5  }
0x32: {  	s19 =	sand.u32 $0x3FFFFC00, s31;
	v6 =	vadd.f32 v7, v6  }
0x33: {  	s20 =	sor.u32 s20, s19;
	v7 =	vadd.s32 $0x400, v3  }
0x34: {  	[tilespmem:s20+$0x5000] =	vst v6  }
0x35: {  	v6 =	vld.idx.msk [tilespmem:v8+s2+$0x0], $0xffff  }
0x36: {  	v8 =	vld.idx.msk [tilespmem:v9+s2+$0x0], $0xffff;
	_ =	sdelay $0x1  }
0x37: {  	v7 =	vld.idx.msk [tilespmem:v7+s2+$0x0], $0xffff;
	_ =	sdelay $0x2  }
0x38: {  	v6 =	vmul.f32 v6, v0;
	v8 =	vmul.f32 v8, v1;
	_ =	sdelay $0x1  }
0x39: {  	v6 =	vadd.f32 v8, v6;
	v7 =	vmul.f32 v7, v2;
	v8 =	vadd.s32 $0x800, v4  }
0x3a: {  	v9 =	vadd.s32 $0x800, v5  }
0x3b: {  	v6 =	vadd.f32 v7, v6  }
0x3c: {  	v7 =	vadd.s32 $0x800, v3  }
0x3d: {  	[tilespmem:s20+$0x5080] =	vst v6  }
0x3e: {  	v6 =	vld.idx.msk [tilespmem:v8+s2+$0x0], $0xffff  }
0x3f: {  	v8 =	vld.idx.msk [tilespmem:v9+s2+$0x0], $0xffff;
	_ =	sdelay $0x1  }
0x40: {  	v7 =	vld.idx.msk [tilespmem:v7+s2+$0x0], $0xffff;
	_ =	sdelay $0x2  }
0x41: {  	v6 =	vmul.f32 v6, v0;
	v8 =	vmul.f32 v8, v1;
	_ =	sdelay $0x1  }
0x42: {  	v6 =	vadd.f32 v8, v6;
	v7 =	vmul.f32 v7, v2;
	v8 =	vadd.s32 $0xC00, v4  }
0x43: {  	v9 =	vadd.s32 $0xC00, v5  }
0x44: {  	v6 =	vadd.f32 v7, v6  }
0x45: {  	v7 =	vadd.s32 $0xC00, v3  }
0x46: {  	[tilespmem:s20+$0x5100] =	vst v6  }
0x47: {  	v6 =	vld.idx.msk [tilespmem:v8+s2+$0x0], $0xffff  }
0x48: {  	v8 =	vld.idx.msk [tilespmem:v9+s2+$0x0], $0xffff;
	_ =	sdelay $0x1  }
0x49: {  	v7 =	vld.idx.msk [tilespmem:v7+s2+$0x0], $0xffff;
	_ =	sdelay $0x2  }
0x4a: {  	v6 =	vmul.f32 v6, v0;
	v8 =	vmul.f32 v8, v1;
	_ =	sdelay $0x1  }
0x4b: {  	v6 =	vadd.f32 v8, v6;
	v7 =	vmul.f32 v7, v2;
	v8 =	vadd.s32 $0x1000, v5  }
0x4c: {  	v9 =	vadd.s32 $0x1000, v4  }
0x4d: {  	v6 =	vadd.f32 v7, v6  }
0x4e: {  	v7 =	vadd.s32 $0x1000, v3  }
0x4f: {  	[tilespmem:s20+$0x5180] =	vst v6  }
0x50: {  	v6 =	vld.idx.msk [tilespmem:v8+s2+$0x0], $0xffff  }
0x51: {  	v8 =	vld.idx.msk [tilespmem:v9+s2+$0x0], $0xffff;
	_ =	sdelay $0x1  }
0x52: {  	v7 =	vld.idx.msk [tilespmem:v7+s2+$0x0], $0xffff;
	_ =	sdelay $0x2  }
0x53: {  	v6 =	vmul.f32 v6, v1;
	v8 =	vmul.f32 v8, v0;
	_ =	sdelay $0x1  }
0x54: {  	v6 =	vadd.f32 v6, v8;
	v7 =	vmul.f32 v7, v2;
	v8 =	vadd.s32 $0x1400, v4  }
0x55: {  	v9 =	vadd.s32 $0x1400, v5  }
0x56: {  	v6 =	vadd.f32 v7, v6  }
0x57: {  	v7 =	vadd.s32 $0x1400, v3  }
0x58: {  	[tilespmem:s20+$0x5200] =	vst v6  }
0x59: {  	v6 =	vld.idx.msk [tilespmem:v8+s2+$0x0], $0xffff  }
0x5a: {  	v8 =	vld.idx.msk [tilespmem:v9+s2+$0x0], $0xffff;
	_ =	sdelay $0x1  }
0x5b: {  	v7 =	vld.idx.msk [tilespmem:v7+s2+$0x0], $0xffff;
	_ =	sdelay $0x2  }
0x5c: {  	v6 =	vmul.f32 v6, v0;
	v8 =	vmul.f32 v8, v1;
	_ =	sdelay $0x1  }
0x5d: {  	v6 =	vadd.f32 v8, v6;
	v7 =	vmul.f32 v7, v2;
	v8 =	vadd.s32 $0x1800, v4  }
0x5e: {  	v9 =	vadd.s32 $0x1800, v5  }
0x5f: {  	v6 =	vadd.f32 v7, v6  }
0x60: {  	v7 =	vadd.s32 $0x1800, v3  }
0x61: {  	[tilespmem:s20+$0x5280] =	vst v6  }
0x62: {  	v6 =	vld.idx.msk [tilespmem:v8+s2+$0x0], $0xffff  }
0x63: {  	v8 =	vld.idx.msk [tilespmem:v9+s2+$0x0], $0xffff;
	_ =	sdelay $0x1  }
0x64: {  	v7 =	vld.idx.msk [tilespmem:v7+s2+$0x0], $0xffff;
	_ =	sdelay $0x2  }
0x65: {  	v6 =	vmul.f32 v6, v0;
	v8 =	vmul.f32 v8, v1;
	_ =	sdelay $0x1  }
0x66: {  	v6 =	vadd.f32 v8, v6;
	v7 =	vmul.f32 v7, v2;
	v8 =	vadd.s32 $0x1C00, v4  }
0x67: {  	v9 =	vadd.s32 $0x1C00, v5  }
0x68: {  	v6 =	vadd.f32 v7, v6  }
0x69: {  	v7 =	vadd.s32 $0x1C00, v3  }
0x6a: {  	[tilespmem:s20+$0x5300] =	vst v6  }
0x6b: {  	v6 =	vld.idx.msk [tilespmem:v8+s2+$0x0], $0xffff  }
0x6c: {  	v8 =	vld.idx.msk [tilespmem:v9+s2+$0x0], $0xffff;
	_ =	sdelay $0x1  }
0x6d: {  	v7 =	vld.idx.msk [tilespmem:v7+s2+$0x0], $0xffff;
	_ =	sdelay $0x2  }
0x6e: {  	v6 =	vmul.f32 v6, v0;
	v8 =	vmul.f32 v8, v1;
	_ =	sdelay $0x1  }
0x6f: {  	v6 =	vadd.f32 v8, v6;
	v7 =	vmul.f32 v7, v2;
	v8 =	vadd.s32 $0x2000, v4  }
0x70: {  	v9 =	vadd.s32 $0x2000, v5  }
0x71: {  	v6 =	vadd.f32 v7, v6  }
0x72: {  	v7 =	vadd.s32 $0x2000, v3  }
0x73: {  	[tilespmem:s20+$0x5380] =	vst v6  }
0x74: {  	v6 =	vld.idx.msk [tilespmem:v8+s2+$0x0], $0xffff  }
0x75: {  	v8 =	vld.idx.msk [tilespmem:v9+s2+$0x0], $0xffff;
	_ =	sdelay $0x1  }
0x76: {  	v7 =	vld.idx.msk [tilespmem:v7+s2+$0x0], $0xffff;
	_ =	sdelay $0x2  }
0x77: {  	v6 =	vmul.f32 v6, v0;
	v8 =	vmul.f32 v8, v1;
	_ =	sdelay $0x1  }
0x78: {  	v6 =	vadd.f32 v8, v6;
	v7 =	vmul.f32 v7, v2;
	v8 =	vadd.s32 $0x2400, v4  }
0x79: {  	v9 =	vadd.s32 $0x2400, v5  }
0x7a: {  	v6 =	vadd.f32 v7, v6  }
0x7b: {  	v7 =	vadd.s32 $0x2400, v3  }
0x7c: {  	[tilespmem:s20+$0x7000] =	vst v6  }
0x7d: {  	v6 =	vld.idx.msk [tilespmem:v8+s2+$0x0], $0xffff  }
0x7e: {  	v8 =	vld.idx.msk [tilespmem:v9+s2+$0x0], $0xffff;
	_ =	sdelay $0x1  }
0x7f: {  	v7 =	vld.idx.msk [tilespmem:v7+s2+$0x0], $0xffff;
	_ =	sdelay $0x2  }
0x80: {  	v9 =	vmul.f32 v6, v0;
	v8 =	vmul.f32 v8, v1  }
0x81: {  	v6 =	vadd.s32 $0x2800, v5  }
0x82: {  	s21 =	simm.s32 $0x1;
	s22 =	simm.s32 $0x0;
	s19 =	simm.s32 $0x0;
	v8 =	vadd.f32 v8, v9;
	v9 =	vmul.f32 v7, v2;
	v7 =	vadd.s32 $0x2800, v4  }
.LBB2_2:
0x83: {  	p0 =	sne.s32 s21, $0x1F  }
0x84: {  	s22 =	sadd.s32 $0x10, s22;
	s23 =	smov.u32 s21;
	s21 =	sadd.s32 $0x1, s21  }
0x85: {  	v8 =	vadd.f32 v9, v8;
	v9 =	vadd.s32 $0x2800, v3;
	_ =	sdelay $0x1  }
0x86: {  	[tilespmem:s20+$0x7080] =	vst v8  }
0x87: {  	v7 =	vld.idx.msk [tilespmem:v7+s19+$0x0], $0xffff  }
0x88: {  	v6 =	vld.idx.msk [tilespmem:v6+s19+$0x0], $0xffff  }
0x89: {  	v8 =	vld.idx.msk [tilespmem:v9+s19+$0x0], $0xffff;
	_ =	sdelay $0x3  }
0x8a: {  	s25 =	sshll.u32 s23, $0x6;
	v7 =	vmul.f32 v7, v0  }
0x8b: {  	s24 =	sand.u32 $0x70, s22;
	s25 =	sand.u32 $0xFFFFFE00, s25;
	v6 =	vmul.f32 v6, v1  }
0x8c: {  	s25 =	sor.u32 s24, s25  }
0x8d: {  	v4 =	vadd.s32 $0x2C00, v4;
	v6 =	vadd.f32 v6, v7;
	v7 =	vmul.f32 v8, v2  }
0x8e: {  	v5 =	vadd.s32 $0x2C00, v5  }
0x8f: {  	v3 =	vadd.s32 $0x2C00, v3;
	v6 =	vadd.f32 v7, v6;
	_ =	sdelay $0x1  }
0x90: {  	[tilespmem:s20+$0x7100] =	vst v6  }
0x91: {  	v4 =	vld.idx.msk [tilespmem:v4+s19+$0x0], $0xffff  }
0x92: {  	v5 =	vld.idx.msk [tilespmem:v5+s19+$0x0], $0xffff  }
0x93: {  	v3 =	vld.idx.msk [tilespmem:v3+s19+$0x0], $0xffff;
	_ =	sdelay $0x3  }
0x94: {  	v0 =	vmul.f32 v4, v0  }
0x95: {  	v1 =	vmul.f32 v5, v1;
	_ =	sdelay $0x1  }
0x96: {  	v0 =	vadd.f32 v1, v0;
	v1 =	vmul.f32 v3, v2;
	_ =	sdelay $0x1  }
0x97: {  	v0 =	vadd.f32 v1, v0;
	_ =	sdelay $0x1  }
0x98: {  	[tilespmem:s20+$0x7180] =	vst v0  }
0x99: {  	v4 =	vld [tilespmem:s25+$0x3000]  }
0x9a: {  	v5 =	vld [tilespmem:s25+$0x3080]  }
0x9b: {  	v3 =	vld [tilespmem:s25+$0x3100]  }
0x9c: {  	v0 =	vld [tilespmem:s25+$0x4000]  }
0x9d: {  	v1 =	vld [tilespmem:s25+$0x4080];
	_ =	sdelay $0x1  }
0x9e: {  	v6 =	vadd.s32 $0x2800, v5  }
0x9f: {  	s19 =	simm.s32 $0x0  }
0xa0: {  	v7 =	vld.idx.msk [tilespmem:v4+s19+$0x0], $0xffff  }
0xa1: {  	v8 =	vld.idx.msk [tilespmem:v5+s19+$0x0], $0xffff;
	_ =	sdelay $0x1  }
0xa2: {  	v9 =	vld.idx.msk [tilespmem:v3+s19+$0x0], $0xffff  }
0xa3: {  	v2 =	vld [tilespmem:s25+$0x4100];
	_ =	sdelay $0x1  }
0xa4: {  	v7 =	vmul.f32 v7, v0  }
0xa5: {  	v8 =	vmul.f32 v8, v1;
	_ =	sdelay $0x1  }
0xa6: {  	v7 =	vadd.f32 v8, v7;
	v8 =	vmul.f32 v9, v2;
	v9 =	vadd.s32 $0x400, v4  }
0xa7: {  	s20 =	sshll.u32 s23, $0x7;
	v10 =	vadd.s32 $0x400, v5  }
0xa8: {  	s20 =	sand.u32 $0x3FFFFC00, s20;
	v7 =	vadd.f32 v8, v7  }
0xa9: {  	s20 =	sor.u32 s24, s20;
	v8 =	vadd.s32 $0x400, v3  }
0xaa: {  	[tilespmem:s20+$0x5000] =	vst v7  }
0xab: {  	v7 =	vld.idx.msk [tilespmem:v9+s19+$0x0], $0xffff  }
0xac: {  	v9 =	vld.idx.msk [tilespmem:v10+s19+$0x0], $0xffff;
	_ =	sdelay $0x1  }
0xad: {  	v8 =	vld.idx.msk [tilespmem:v8+s19+$0x0], $0xffff;
	_ =	sdelay $0x2  }
0xae: {  	v7 =	vmul.f32 v7, v0  }
0xaf: {  	v9 =	vmul.f32 v9, v1;
	_ =	sdelay $0x1  }
0xb0: {  	v7 =	vadd.f32 v9, v7;
	v8 =	vmul.f32 v8, v2;
	v9 =	vadd.s32 $0x800, v4  }
0xb1: {  	v10 =	vadd.s32 $0x800, v5  }
0xb2: {  	v7 =	vadd.f32 v8, v7  }
0xb3: {  	v8 =	vadd.s32 $0x800, v3  }
0xb4: {  	[tilespmem:s20+$0x5080] =	vst v7  }
0xb5: {  	v7 =	vld.idx.msk [tilespmem:v9+s19+$0x0], $0xffff  }
0xb6: {  	v9 =	vld.idx.msk [tilespmem:v10+s19+$0x0], $0xffff;
	_ =	sdelay $0x1  }
0xb7: {  	v8 =	vld.idx.msk [tilespmem:v8+s19+$0x0], $0xffff;
	_ =	sdelay $0x2  }
0xb8: {  	v7 =	vmul.f32 v7, v0  }
0xb9: {  	v9 =	vmul.f32 v9, v1;
	_ =	sdelay $0x1  }
0xba: {  	v7 =	vadd.f32 v9, v7;
	v8 =	vmul.f32 v8, v2;
	v9 =	vadd.s32 $0xC00, v4  }
0xbb: {  	v10 =	vadd.s32 $0xC00, v5  }
0xbc: {  	v7 =	vadd.f32 v8, v7  }
0xbd: {  	v8 =	vadd.s32 $0xC00, v3  }
0xbe: {  	[tilespmem:s20+$0x5100] =	vst v7  }
0xbf: {  	v7 =	vld.idx.msk [tilespmem:v9+s19+$0x0], $0xffff  }
0xc0: {  	v9 =	vld.idx.msk [tilespmem:v10+s19+$0x0], $0xffff;
	_ =	sdelay $0x1  }
0xc1: {  	v8 =	vld.idx.msk [tilespmem:v8+s19+$0x0], $0xffff;
	_ =	sdelay $0x2  }
0xc2: {  	v7 =	vmul.f32 v7, v0  }
0xc3: {  	v9 =	vmul.f32 v9, v1;
	_ =	sdelay $0x1  }
0xc4: {  	v7 =	vadd.f32 v9, v7;
	v8 =	vmul.f32 v8, v2;
	v9 =	vadd.s32 $0x1000, v5  }
0xc5: {  	v10 =	vadd.s32 $0x1000, v4  }
0xc6: {  	v7 =	vadd.f32 v8, v7;
	v8 =	vadd.s32 $0x1000, v3;
	_ =	sdelay $0x1  }
0xc7: {  	[tilespmem:s20+$0x5180] =	vst v7  }
0xc8: {  	v7 =	vld.idx.msk [tilespmem:v9+s19+$0x0], $0xffff  }
0xc9: {  	v9 =	vld.idx.msk [tilespmem:v10+s19+$0x0], $0xffff  }
0xca: {  	v8 =	vld.idx.msk [tilespmem:v8+s19+$0x0], $0xffff;
	_ =	sdelay $0x3  }
0xcb: {  	v7 =	vmul.f32 v7, v1  }
0xcc: {  	v9 =	vmul.f32 v9, v0;
	_ =	sdelay $0x1  }
0xcd: {  	v8 =	vmul.f32 v8, v2;
	v7 =	vadd.f32 v7, v9;
	v9 =	vadd.s32 $0x1400, v4  }
0xce: {  	v10 =	vadd.s32 $0x1400, v5  }
0xcf: {  	v7 =	vadd.f32 v8, v7;
	v8 =	vadd.s32 $0x1400, v3;
	_ =	sdelay $0x1  }
0xd0: {  	[tilespmem:s20+$0x5200] =	vst v7  }
0xd1: {  	v7 =	vld.idx.msk [tilespmem:v9+s19+$0x0], $0xffff  }
0xd2: {  	v9 =	vld.idx.msk [tilespmem:v10+s19+$0x0], $0xffff  }
0xd3: {  	v8 =	vld.idx.msk [tilespmem:v8+s19+$0x0], $0xffff;
	_ =	sdelay $0x3  }
0xd4: {  	v7 =	vmul.f32 v7, v0  }
0xd5: {  	v9 =	vmul.f32 v9, v1;
	_ =	sdelay $0x1  }
0xd6: {  	v8 =	vmul.f32 v8, v2;
	v7 =	vadd.f32 v9, v7;
	v9 =	vadd.s32 $0x1800, v4  }
0xd7: {  	v10 =	vadd.s32 $0x1800, v5  }
0xd8: {  	v7 =	vadd.f32 v8, v7;
	v8 =	vadd.s32 $0x1800, v3;
	_ =	sdelay $0x1  }
0xd9: {  	[tilespmem:s20+$0x5280] =	vst v7  }
0xda: {  	v7 =	vld.idx.msk [tilespmem:v9+s19+$0x0], $0xffff  }
0xdb: {  	v9 =	vld.idx.msk [tilespmem:v10+s19+$0x0], $0xffff  }
0xdc: {  	v8 =	vld.idx.msk [tilespmem:v8+s19+$0x0], $0xffff;
	_ =	sdelay $0x3  }
0xdd: {  	v7 =	vmul.f32 v7, v0  }
0xde: {  	v9 =	vmul.f32 v9, v1;
	_ =	sdelay $0x1  }
0xdf: {  	v8 =	vmul.f32 v8, v2;
	v7 =	vadd.f32 v9, v7;
	v9 =	vadd.s32 $0x1C00, v4  }
0xe0: {  	v10 =	vadd.s32 $0x1C00, v5  }
0xe1: {  	v7 =	vadd.f32 v8, v7;
	v8 =	vadd.s32 $0x1C00, v3;
	_ =	sdelay $0x1  }
0xe2: {  	[tilespmem:s20+$0x5300] =	vst v7  }
0xe3: {  	v7 =	vld.idx.msk [tilespmem:v9+s19+$0x0], $0xffff  }
0xe4: {  	v9 =	vld.idx.msk [tilespmem:v10+s19+$0x0], $0xffff  }
0xe5: {  	v8 =	vld.idx.msk [tilespmem:v8+s19+$0x0], $0xffff;
	_ =	sdelay $0x3  }
0xe6: {  	v7 =	vmul.f32 v7, v0  }
0xe7: {  	v9 =	vmul.f32 v9, v1;
	_ =	sdelay $0x1  }
0xe8: {  	v8 =	vmul.f32 v8, v2;
	v7 =	vadd.f32 v9, v7;
	v9 =	vadd.s32 $0x2000, v4  }
0xe9: {  	v10 =	vadd.s32 $0x2000, v5  }
0xea: {  	v7 =	vadd.f32 v8, v7;
	v8 =	vadd.s32 $0x2000, v3;
	_ =	sdelay $0x1  }
0xeb: {  	[tilespmem:s20+$0x5380] =	vst v7  }
0xec: {  	v7 =	vld.idx.msk [tilespmem:v9+s19+$0x0], $0xffff  }
0xed: {  	v9 =	vld.idx.msk [tilespmem:v10+s19+$0x0], $0xffff  }
0xee: {  	v8 =	vld.idx.msk [tilespmem:v8+s19+$0x0], $0xffff;
	_ =	sdelay $0x3  }
0xef: {  	v7 =	vmul.f32 v7, v0  }
0xf0: {  	v9 =	vmul.f32 v9, v1;
	_ =	sdelay $0x1  }
0xf1: {  	v8 =	vmul.f32 v8, v2;
	v7 =	vadd.f32 v9, v7;
	v9 =	vadd.s32 $0x2400, v4  }
0xf2: {  	v10 =	vadd.s32 $0x2400, v5  }
0xf3: {  	v7 =	vadd.f32 v8, v7;
	v8 =	vadd.s32 $0x2400, v3;
	_ =	sdelay $0x1  }
0xf4: {  	[tilespmem:s20+$0x7000] =	vst v7  }
0xf5: {  	v7 =	vld.idx.msk [tilespmem:v9+s19+$0x0], $0xffff  }
0xf6: {  	v9 =	vld.idx.msk [tilespmem:v10+s19+$0x0], $0xffff  }
0xf7: {  	v10 =	vld.idx.msk [tilespmem:v8+s19+$0x0], $0xffff;
	_ =	sdelay $0x2  }
.Ltmp0:
0xf8: {  	(pc) =	sbr.rel @p0 .LBB2_2-.Ltmp0, $3  }
0xf9: {  	v7 =	vmul.f32 v7, v0  }
0xfa: {  	v8 =	vmul.f32 v9, v1;
	_ =	sdelay $0x1  }
0xfb: {  	v9 =	vmul.f32 v10, v2;
	v8 =	vadd.f32 v8, v7;
	v7 =	vadd.s32 $0x2800, v4  }
0xfc: {  	_ = 	snop  }
0xfd: {  	v8 =	vadd.f32 v9, v8  }
0xfe: {  	v9 =	vadd.s32 $0x2800, v3  }
0xff: {  	[tilespmem:s20+$0x7080] =	vst v8  }
0x100: {  	v7 =	vld.idx.msk [tilespmem:v7+s19+$0x0], $0xffff  }
0x101: {  	v6 =	vld.idx.msk [tilespmem:v6+s19+$0x0], $0xffff;
	_ =	sdelay $0x1  }
0x102: {  	v8 =	vld.idx.msk [tilespmem:v9+s19+$0x0], $0xffff;
	_ =	sdelay $0x2  }
0x103: {  	v7 =	vmul.f32 v7, v0;
	v6 =	vmul.f32 v6, v1;
	_ =	sdelay $0x1  }
0x104: {  	v4 =	vadd.s32 $0x2C00, v4;
	v6 =	vadd.f32 v6, v7;
	v7 =	vmul.f32 v8, v2  }
0x105: {  	v5 =	vadd.s32 $0x2C00, v5  }
0x106: {  	v6 =	vadd.f32 v7, v6  }
0x107: {  	v3 =	vadd.s32 $0x2C00, v3  }
0x108: {  	[tilespmem:s20+$0x7100] =	vst v6  }
0x109: {  	v4 =	vld.idx.msk [tilespmem:v4+s19+$0x0], $0xffff  }
0x10a: {  	v5 =	vld.idx.msk [tilespmem:v5+s19+$0x0], $0xffff;
	_ =	sdelay $0x1  }
0x10b: {  	v3 =	vld.idx.msk [tilespmem:v3+s19+$0x0], $0xffff;
	_ =	sdelay $0x2  }
0x10c: {  	v0 =	vmul.f32 v4, v0;
	v1 =	vmul.f32 v5, v1;
	_ =	sdelay $0x1  }
0x10d: {  	v0 =	vadd.f32 v1, v0;
	v1 =	vmul.f32 v3, v2;
	_ =	sdelay $0x1  }
0x10e: {  	v0 =	vadd.f32 v1, v0  }
0x10f: {  	s21 =	sand.u32 $0x70, s19;
	s22 =	sand.u32 $0x600, s19  }
0x110: {  	s30 =	sor.u32 s21, s22;
	[tilespmem:s20+$0x7180] =	vst v0  }
0x111: {  	v3 =	vld [tilespmem:s30+$0x3800]  }
0x112: {  	v5 =	vld [tilespmem:s30+$0x3880];
	_ =	sdelay $0x1  }
0x113: {  	v4 =	vld [tilespmem:s30+$0x3900];
	_ =	sdelay $0x2  }
0x114: {  	v0 =	vld [tilespmem:s30+$0x4800]  }
0x115: {  	v1 =	vld [tilespmem:s30+$0x4880]  }
0x116: {  	v6 =	vld.idx.msk [tilespmem:v3+s2+$0x0], $0xffff  }
0x117: {  	v7 =	vld.idx.msk [tilespmem:v5+s2+$0x0], $0xffff  }
0x118: {  	v2 =	vld [tilespmem:s30+$0x4900]  }
0x119: {  	v8 =	vld.idx.msk [tilespmem:v4+s2+$0x0], $0xffff;
	_ =	sdelay $0x2  }
0x11a: {  	v6 =	vmul.f32 v6, v0;
	v7 =	vmul.f32 v7, v1;
	_ =	sdelay $0x1  }
0x11b: {  	v6 =	vadd.f32 v7, v6;
	v7 =	vmul.f32 v8, v2;
	v8 =	vadd.s32 $0x400, v3  }
0x11c: {  	v9 =	vadd.s32 $0x400, v5  }
0x11d: {  	s31 =	sand.u32 $0xC00, s19;
	v6 =	vadd.f32 v7, v6  }
0x11e: {  	s20 =	sor.u32 s21, s31;
	v7 =	vadd.s32 $0x400, v4  }
0x11f: {  	[tilespmem:s20+$0x6000] =	vst v6  }
0x120: {  	v6 =	vld.idx.msk [tilespmem:v8+s2+$0x0], $0xffff  }
0x121: {  	v8 =	vld.idx.msk [tilespmem:v9+s2+$0x0], $0xffff;
	_ =	sdelay $0x1  }
0x122: {  	v7 =	vld.idx.msk [tilespmem:v7+s2+$0x0], $0xffff;
	_ =	sdelay $0x2  }
0x123: {  	v6 =	vmul.f32 v6, v0;
	v8 =	vmul.f32 v8, v1;
	_ =	sdelay $0x1  }
0x124: {  	v6 =	vadd.f32 v8, v6;
	v7 =	vmul.f32 v7, v2;
	v8 =	vadd.s32 $0x800, v3  }
0x125: {  	v9 =	vadd.s32 $0x800, v5  }
0x126: {  	v6 =	vadd.f32 v7, v6  }
0x127: {  	v7 =	vadd.s32 $0x800, v4  }
0x128: {  	[tilespmem:s20+$0x6080] =	vst v6  }
0x129: {  	v6 =	vld.idx.msk [tilespmem:v8+s2+$0x0], $0xffff  }
0x12a: {  	v8 =	vld.idx.msk [tilespmem:v9+s2+$0x0], $0xffff;
	_ =	sdelay $0x1  }
0x12b: {  	v7 =	vld.idx.msk [tilespmem:v7+s2+$0x0], $0xffff;
	_ =	sdelay $0x2  }
0x12c: {  	v6 =	vmul.f32 v6, v0;
	v8 =	vmul.f32 v8, v1;
	_ =	sdelay $0x1  }
0x12d: {  	v6 =	vadd.f32 v8, v6;
	v7 =	vmul.f32 v7, v2;
	v8 =	vadd.s32 $0xC00, v5  }
0x12e: {  	v9 =	vadd.s32 $0xC00, v3  }
0x12f: {  	v6 =	vadd.f32 v7, v6  }
0x130: {  	v7 =	vadd.s32 $0xC00, v4  }
0x131: {  	[tilespmem:s20+$0x6100] =	vst v6  }
0x132: {  	v6 =	vld.idx.msk [tilespmem:v8+s2+$0x0], $0xffff  }
0x133: {  	v8 =	vld.idx.msk [tilespmem:v9+s2+$0x0], $0xffff;
	_ =	sdelay $0x1  }
0x134: {  	v7 =	vld.idx.msk [tilespmem:v7+s2+$0x0], $0xffff;
	_ =	sdelay $0x2  }
0x135: {  	v6 =	vmul.f32 v6, v1;
	v8 =	vmul.f32 v8, v0;
	_ =	sdelay $0x1  }
0x136: {  	v6 =	vadd.f32 v6, v8;
	v7 =	vmul.f32 v7, v2;
	v8 =	vadd.s32 $0x1000, v3  }
0x137: {  	v9 =	vadd.s32 $0x1000, v5  }
0x138: {  	v6 =	vadd.f32 v7, v6  }
0x139: {  	v7 =	vadd.s32 $0x1000, v4  }
0x13a: {  	[tilespmem:s20+$0x6180] =	vst v6  }
0x13b: {  	v6 =	vld.idx.msk [tilespmem:v8+s2+$0x0], $0xffff  }
0x13c: {  	v8 =	vld.idx.msk [tilespmem:v9+s2+$0x0], $0xffff;
	_ =	sdelay $0x1  }
0x13d: {  	v7 =	vld.idx.msk [tilespmem:v7+s2+$0x0], $0xffff;
	_ =	sdelay $0x2  }
0x13e: {  	v6 =	vmul.f32 v6, v0;
	v8 =	vmul.f32 v8, v1;
	_ =	sdelay $0x1  }
0x13f: {  	v6 =	vadd.f32 v8, v6;
	v7 =	vmul.f32 v7, v2;
	v8 =	vadd.s32 $0x1400, v3  }
0x140: {  	v9 =	vadd.s32 $0x1400, v5  }
0x141: {  	v6 =	vadd.f32 v7, v6  }
0x142: {  	v7 =	vadd.s32 $0x1400, v4  }
0x143: {  	[tilespmem:s20+$0x6200] =	vst v6  }
0x144: {  	v6 =	vld.idx.msk [tilespmem:v8+s2+$0x0], $0xffff  }
0x145: {  	v8 =	vld.idx.msk [tilespmem:v9+s2+$0x0], $0xffff;
	_ =	sdelay $0x1  }
0x146: {  	v7 =	vld.idx.msk [tilespmem:v7+s2+$0x0], $0xffff;
	_ =	sdelay $0x2  }
0x147: {  	v6 =	vmul.f32 v6, v0;
	v8 =	vmul.f32 v8, v1;
	_ =	sdelay $0x1  }
0x148: {  	v6 =	vadd.f32 v8, v6;
	v7 =	vmul.f32 v7, v2;
	v8 =	vadd.s32 $0x1800, v3  }
0x149: {  	v9 =	vadd.s32 $0x1800, v5  }
0x14a: {  	v6 =	vadd.f32 v7, v6  }
0x14b: {  	v7 =	vadd.s32 $0x1800, v4  }
0x14c: {  	[tilespmem:s20+$0x6280] =	vst v6  }
0x14d: {  	v6 =	vld.idx.msk [tilespmem:v8+s2+$0x0], $0xffff  }
0x14e: {  	v8 =	vld.idx.msk [tilespmem:v9+s2+$0x0], $0xffff;
	_ =	sdelay $0x1  }
0x14f: {  	v7 =	vld.idx.msk [tilespmem:v7+s2+$0x0], $0xffff;
	_ =	sdelay $0x2  }
0x150: {  	v6 =	vmul.f32 v6, v0;
	v8 =	vmul.f32 v8, v1;
	_ =	sdelay $0x1  }
0x151: {  	v6 =	vadd.f32 v8, v6;
	v7 =	vmul.f32 v7, v2;
	v8 =	vadd.s32 $0x1C00, v5  }
0x152: {  	v9 =	vadd.s32 $0x1C00, v3  }
0x153: {  	v6 =	vadd.f32 v7, v6  }
0x154: {  	v7 =	vadd.s32 $0x1C00, v4  }
0x155: {  	[tilespmem:s20+$0x6300] =	vst v6  }
0x156: {  	v6 =	vld.idx.msk [tilespmem:v8+s2+$0x0], $0xffff  }
0x157: {  	v8 =	vld.idx.msk [tilespmem:v9+s2+$0x0], $0xffff;
	_ =	sdelay $0x1  }
0x158: {  	v7 =	vld.idx.msk [tilespmem:v7+s2+$0x0], $0xffff;
	_ =	sdelay $0x2  }
0x159: {  	v6 =	vmul.f32 v6, v1;
	v8 =	vmul.f32 v8, v0;
	_ =	sdelay $0x1  }
0x15a: {  	v6 =	vadd.f32 v6, v8;
	v7 =	vmul.f32 v7, v2;
	v8 =	vadd.s32 $0x2000, v3  }
0x15b: {  	v9 =	vadd.s32 $0x2000, v5  }
0x15c: {  	v6 =	vadd.f32 v7, v6  }
0x15d: {  	v7 =	vadd.s32 $0x2000, v4  }
0x15e: {  	[tilespmem:s20+$0x6380] =	vst v6  }
0x15f: {  	v6 =	vld.idx.msk [tilespmem:v8+s2+$0x0], $0xffff  }
0x160: {  	v8 =	vld.idx.msk [tilespmem:v9+s2+$0x0], $0xffff;
	_ =	sdelay $0x1  }
0x161: {  	v7 =	vld.idx.msk [tilespmem:v7+s2+$0x0], $0xffff;
	_ =	sdelay $0x2  }
0x162: {  	v6 =	vmul.f32 v6, v0;
	v8 =	vmul.f32 v8, v1;
	_ =	sdelay $0x1  }
0x163: {  	v6 =	vadd.f32 v8, v6;
	v7 =	vmul.f32 v7, v2;
	v8 =	vadd.s32 $0x2400, v3  }
0x164: {  	v9 =	vadd.s32 $0x2400, v5  }
0x165: {  	v10 =	vadd.s32 $0x2400, v4;
	v6 =	vadd.f32 v7, v6;
	_ =	sdelay $0x1  }
0x166: {  	[tilespmem:s20+$0x8000] =	vst v6  }
0x167: {  	v7 =	vld.idx.msk [tilespmem:v8+s2+$0x0], $0xffff  }
0x168: {  	v8 =	vld.idx.msk [tilespmem:v9+s2+$0x0], $0xffff  }
0x169: {  	s22 =	simm.s32 $0x0;
	s21 =	simm.s32 $0x10;
	v6 =	vld.idx.msk [tilespmem:v10+s2+$0x0], $0xffff  }
.LBB2_4:
0x16a: {  	p0 =	sne.s32 s21, $0x1F0;
	s19 =	sadd.s32 $0x80, s19;
	s22 =	sadd.s32 $0x40, s22  }
0x16b: {  	s23 =	smov.u32 s21;
	s21 =	sadd.s32 $0x10, s21;
	_ =	sdelay $0x1  }
0x16c: {  	v7 =	vmul.f32 v7, v0  }
0x16d: {  	v8 =	vmul.f32 v8, v1;
	_ =	sdelay $0x1  }
0x16e: {  	v6 =	vmul.f32 v6, v2;
	v7 =	vadd.f32 v8, v7;
	v8 =	vadd.s32 $0x2800, v3  }
0x16f: {  	v9 =	vadd.s32 $0x2800, v5  }
0x170: {  	v6 =	vadd.f32 v6, v7;
	v7 =	vadd.s32 $0x2800, v4;
	_ =	sdelay $0x1  }
0x171: {  	[tilespmem:s20+$0x8080] =	vst v6  }
0x172: {  	s23 =	sand.u32 $0x70, s23;
	s24 =	sand.u32 $0x600, s22;
	v6 =	vld.idx.msk [tilespmem:v8+s2+$0x0], $0xffff  }
0x173: {  	s24 =	sor.u32 s23, s24;
	v8 =	vld.idx.msk [tilespmem:v9+s2+$0x0], $0xffff  }
0x174: {  	v7 =	vld.idx.msk [tilespmem:v7+s2+$0x0], $0xffff;
	_ =	sdelay $0x3  }
0x175: {  	v6 =	vmul.f32 v6, v0  }
0x176: {  	v8 =	vmul.f32 v8, v1;
	_ =	sdelay $0x1  }
0x177: {  	v5 =	vadd.s32 $0x2C00, v5;
	v7 =	vmul.f32 v7, v2;
	v6 =	vadd.f32 v8, v6  }
0x178: {  	v3 =	vadd.s32 $0x2C00, v3  }
0x179: {  	v4 =	vadd.s32 $0x2C00, v4;
	v6 =	vadd.f32 v7, v6;
	_ =	sdelay $0x1  }
0x17a: {  	[tilespmem:s20+$0x8100] =	vst v6  }
0x17b: {  	v5 =	vld.idx.msk [tilespmem:v5+s2+$0x0], $0xffff  }
0x17c: {  	v3 =	vld.idx.msk [tilespmem:v3+s2+$0x0], $0xffff  }
0x17d: {  	v4 =	vld.idx.msk [tilespmem:v4+s2+$0x0], $0xffff;
	_ =	sdelay $0x3  }
0x17e: {  	v1 =	vmul.f32 v5, v1  }
0x17f: {  	v0 =	vmul.f32 v3, v0  }
0x180: {  	v2 =	vmul.f32 v4, v2  }
0x181: {  	v0 =	vadd.f32 v1, v0;
	_ =	sdelay $0x1  }
0x182: {  	v0 =	vadd.f32 v2, v0;
	_ =	sdelay $0x1  }
0x183: {  	[tilespmem:s20+$0x8180] =	vst v0  }
0x184: {  	v3 =	vld [tilespmem:s24+$0x3800]  }
0x185: {  	v5 =	vld [tilespmem:s24+$0x3880]  }
0x186: {  	v4 =	vld [tilespmem:s24+$0x3900];
	_ =	sdelay $0x1  }
0x187: {  	v0 =	vld [tilespmem:s24+$0x4800];
	_ =	sdelay $0x2  }
0x188: {  	v1 =	vld [tilespmem:s24+$0x4880]  }
0x189: {  	v6 =	vld.idx.msk [tilespmem:v3+s2+$0x0], $0xffff  }
0x18a: {  	v7 =	vld.idx.msk [tilespmem:v5+s2+$0x0], $0xffff  }
0x18b: {  	v8 =	vld.idx.msk [tilespmem:v4+s2+$0x0], $0xffff;
	_ =	sdelay $0x1  }
0x18c: {  	v2 =	vld [tilespmem:s24+$0x4900];
	_ =	sdelay $0x1  }
0x18d: {  	v6 =	vmul.f32 v6, v0  }
0x18e: {  	v7 =	vmul.f32 v7, v1;
	_ =	sdelay $0x1  }
0x18f: {  	v6 =	vadd.f32 v7, v6;
	v7 =	vmul.f32 v8, v2;
	v8 =	vadd.s32 $0x400, v3  }
0x190: {  	v9 =	vadd.s32 $0x400, v5  }
0x191: {  	s20 =	sand.u32 $0xC00, s19;
	v6 =	vadd.f32 v7, v6  }
0x192: {  	s20 =	sor.u32 s23, s20;
	v7 =	vadd.s32 $0x400, v4  }
0x193: {  	[tilespmem:s20+$0x6000] =	vst v6  }
0x194: {  	v6 =	vld.idx.msk [tilespmem:v8+s2+$0x0], $0xffff  }
0x195: {  	v8 =	vld.idx.msk [tilespmem:v9+s2+$0x0], $0xffff;
	_ =	sdelay $0x1  }
0x196: {  	v7 =	vld.idx.msk [tilespmem:v7+s2+$0x0], $0xffff;
	_ =	sdelay $0x2  }
0x197: {  	v6 =	vmul.f32 v6, v0  }
0x198: {  	v8 =	vmul.f32 v8, v1;
	_ =	sdelay $0x1  }
0x199: {  	v6 =	vadd.f32 v8, v6;
	v7 =	vmul.f32 v7, v2;
	v8 =	vadd.s32 $0x800, v3  }
0x19a: {  	v9 =	vadd.s32 $0x800, v5  }
0x19b: {  	v6 =	vadd.f32 v7, v6  }
0x19c: {  	v7 =	vadd.s32 $0x800, v4  }
0x19d: {  	[tilespmem:s20+$0x6080] =	vst v6  }
0x19e: {  	v6 =	vld.idx.msk [tilespmem:v8+s2+$0x0], $0xffff  }
0x19f: {  	v8 =	vld.idx.msk [tilespmem:v9+s2+$0x0], $0xffff;
	_ =	sdelay $0x1  }
0x1a0: {  	v7 =	vld.idx.msk [tilespmem:v7+s2+$0x0], $0xffff;
	_ =	sdelay $0x2  }
0x1a1: {  	v6 =	vmul.f32 v6, v0  }
0x1a2: {  	v8 =	vmul.f32 v8, v1;
	_ =	sdelay $0x1  }
0x1a3: {  	v6 =	vadd.f32 v8, v6;
	v7 =	vmul.f32 v7, v2;
	v8 =	vadd.s32 $0xC00, v5  }
0x1a4: {  	v9 =	vadd.s32 $0xC00, v3  }
0x1a5: {  	v6 =	vadd.f32 v7, v6;
	v7 =	vadd.s32 $0xC00, v4;
	_ =	sdelay $0x1  }
0x1a6: {  	[tilespmem:s20+$0x6100] =	vst v6  }
0x1a7: {  	v6 =	vld.idx.msk [tilespmem:v8+s2+$0x0], $0xffff  }
0x1a8: {  	v8 =	vld.idx.msk [tilespmem:v9+s2+$0x0], $0xffff  }
0x1a9: {  	v7 =	vld.idx.msk [tilespmem:v7+s2+$0x0], $0xffff;
	_ =	sdelay $0x3  }
0x1aa: {  	v6 =	vmul.f32 v6, v1  }
0x1ab: {  	v8 =	vmul.f32 v8, v0;
	_ =	sdelay $0x1  }
0x1ac: {  	v7 =	vmul.f32 v7, v2;
	v6 =	vadd.f32 v6, v8;
	v8 =	vadd.s32 $0x1000, v3  }
0x1ad: {  	v9 =	vadd.s32 $0x1000, v5  }
0x1ae: {  	v6 =	vadd.f32 v7, v6;
	v7 =	vadd.s32 $0x1000, v4;
	_ =	sdelay $0x1  }
0x1af: {  	[tilespmem:s20+$0x6180] =	vst v6  }
0x1b0: {  	v6 =	vld.idx.msk [tilespmem:v8+s2+$0x0], $0xffff  }
0x1b1: {  	v8 =	vld.idx.msk [tilespmem:v9+s2+$0x0], $0xffff  }
0x1b2: {  	v7 =	vld.idx.msk [tilespmem:v7+s2+$0x0], $0xffff;
	_ =	sdelay $0x3  }
0x1b3: {  	v6 =	vmul.f32 v6, v0  }
0x1b4: {  	v8 =	vmul.f32 v8, v1;
	_ =	sdelay $0x1  }
0x1b5: {  	v7 =	vmul.f32 v7, v2;
	v6 =	vadd.f32 v8, v6;
	v8 =	vadd.s32 $0x1400, v3  }
0x1b6: {  	v9 =	vadd.s32 $0x1400, v5  }
0x1b7: {  	v6 =	vadd.f32 v7, v6  }
0x1b8: {  	v7 =	vadd.s32 $0x1400, v4  }
0x1b9: {  	[tilespmem:s20+$0x6200] =	vst v6  }
0x1ba: {  	v6 =	vld.idx.msk [tilespmem:v8+s2+$0x0], $0xffff  }
0x1bb: {  	v8 =	vld.idx.msk [tilespmem:v9+s2+$0x0], $0xffff;
	_ =	sdelay $0x1  }
0x1bc: {  	v7 =	vld.idx.msk [tilespmem:v7+s2+$0x0], $0xffff;
	_ =	sdelay $0x2  }
0x1bd: {  	v6 =	vmul.f32 v6, v0  }
0x1be: {  	v8 =	vmul.f32 v8, v1;
	_ =	sdelay $0x1  }
0x1bf: {  	v6 =	vadd.f32 v8, v6;
	v7 =	vmul.f32 v7, v2;
	v8 =	vadd.s32 $0x1800, v3  }
0x1c0: {  	v9 =	vadd.s32 $0x1800, v5  }
0x1c1: {  	v6 =	vadd.f32 v7, v6  }
0x1c2: {  	v7 =	vadd.s32 $0x1800, v4  }
0x1c3: {  	[tilespmem:s20+$0x6280] =	vst v6  }
0x1c4: {  	v6 =	vld.idx.msk [tilespmem:v8+s2+$0x0], $0xffff  }
0x1c5: {  	v8 =	vld.idx.msk [tilespmem:v9+s2+$0x0], $0xffff;
	_ =	sdelay $0x1  }
0x1c6: {  	v7 =	vld.idx.msk [tilespmem:v7+s2+$0x0], $0xffff;
	_ =	sdelay $0x2  }
0x1c7: {  	v6 =	vmul.f32 v6, v0  }
0x1c8: {  	v8 =	vmul.f32 v8, v1;
	_ =	sdelay $0x1  }
0x1c9: {  	v6 =	vadd.f32 v8, v6;
	v7 =	vmul.f32 v7, v2;
	v8 =	vadd.s32 $0x1C00, v5  }
0x1ca: {  	v9 =	vadd.s32 $0x1C00, v3  }
0x1cb: {  	v6 =	vadd.f32 v7, v6;
	v7 =	vadd.s32 $0x1C00, v4;
	_ =	sdelay $0x1  }
0x1cc: {  	[tilespmem:s20+$0x6300] =	vst v6  }
0x1cd: {  	v6 =	vld.idx.msk [tilespmem:v8+s2+$0x0], $0xffff  }
0x1ce: {  	v8 =	vld.idx.msk [tilespmem:v9+s2+$0x0], $0xffff  }
0x1cf: {  	v7 =	vld.idx.msk [tilespmem:v7+s2+$0x0], $0xffff;
	_ =	sdelay $0x3  }
0x1d0: {  	v6 =	vmul.f32 v6, v1  }
0x1d1: {  	v8 =	vmul.f32 v8, v0;
	_ =	sdelay $0x1  }
0x1d2: {  	v7 =	vmul.f32 v7, v2;
	v6 =	vadd.f32 v6, v8;
	v8 =	vadd.s32 $0x2000, v3  }
0x1d3: {  	v9 =	vadd.s32 $0x2000, v5  }
0x1d4: {  	v6 =	vadd.f32 v7, v6;
	v7 =	vadd.s32 $0x2000, v4;
	_ =	sdelay $0x1  }
0x1d5: {  	[tilespmem:s20+$0x6380] =	vst v6  }
0x1d6: {  	v6 =	vld.idx.msk [tilespmem:v8+s2+$0x0], $0xffff  }
0x1d7: {  	v8 =	vld.idx.msk [tilespmem:v9+s2+$0x0], $0xffff  }
0x1d8: {  	v7 =	vld.idx.msk [tilespmem:v7+s2+$0x0], $0xffff;
	_ =	sdelay $0x3  }
0x1d9: {  	v6 =	vmul.f32 v6, v0  }
0x1da: {  	v8 =	vmul.f32 v8, v1;
	_ =	sdelay $0x1  }
0x1db: {  	v7 =	vmul.f32 v7, v2;
	v6 =	vadd.f32 v8, v6;
	v8 =	vadd.s32 $0x2400, v3  }
0x1dc: {  	v9 =	vadd.s32 $0x2400, v5  }
0x1dd: {  	v10 =	vadd.s32 $0x2400, v4;
	v6 =	vadd.f32 v7, v6  }
.Ltmp1:
0x1de: {  	(pc) =	sbr.rel @p0 .LBB2_4-.Ltmp1, $4  }
0x1df: {  	[tilespmem:s20+$0x8000] =	vst v6  }
0x1e0: {  	v7 =	vld.idx.msk [tilespmem:v8+s2+$0x0], $0xffff  }
0x1e1: {  	v8 =	vld.idx.msk [tilespmem:v9+s2+$0x0], $0xffff  }
0x1e2: {  	v6 =	vld.idx.msk [tilespmem:v10+s2+$0x0], $0xffff  }
0x1e3: {  	_ =	sdelay $0x2  }
0x1e4: {  	v7 =	vmul.f32 v7, v0;
	v8 =	vmul.f32 v8, v1;
	_ =	sdelay $0x1  }
0x1e5: {  	v55 =	vadd.s32 $0x2800, v3;
	v6 =	vmul.f32 v6, v2;
	v7 =	vadd.f32 v8, v7  }
0x1e6: {  	v9 =	vadd.s32 $0x2800, v5  }
0x1e7: {  	v6 =	vadd.f32 v6, v7  }
0x1e8: {  	v56 =	vadd.s32 $0x2800, v4  }
0x1e9: {  	[tilespmem:s20+$0x8080] =	vst v6  }
0x1ea: {  	v6 =	vld.idx.msk [tilespmem:v55+s2+$0x0], $0xffff  }
0x1eb: {  	v57 =	vld.idx.msk [tilespmem:v9+s2+$0x0], $0xffff;
	_ =	sdelay $0x1  }
0x1ec: {  	v7 =	vld.idx.msk [tilespmem:v56+s2+$0x0], $0xffff;
	_ =	sdelay $0x2  }
0x1ed: {  	v6 =	vmul.f32 v6, v0;
	v8 =	vmul.f32 v57, v1;
	_ =	sdelay $0x1  }
0x1ee: {  	v58 =	vadd.s32 $0x2C00, v5;
	v7 =	vmul.f32 v7, v2;
	v6 =	vadd.f32 v8, v6  }
0x1ef: {  	v59 =	vadd.s32 $0x2C00, v3  }
0x1f0: {  	v6 =	vadd.f32 v7, v6  }
0x1f1: {  	v60 =	vadd.s32 $0x2C00, v4  }
0x1f2: {  	[tilespmem:s20+$0x8100] =	vst v6  }
0x1f3: {  	v5 =	vld.idx.msk [tilespmem:v58+s2+$0x0], $0xffff  }
0x1f4: {  	v3 =	vld.idx.msk [tilespmem:v59+s2+$0x0], $0xffff;
	_ =	sdelay $0x1  }
0x1f5: {  	v4 =	vld.idx.msk [tilespmem:v60+s2+$0x0], $0xffff;
	_ =	sdelay $0x2  }
0x1f6: {  	v61 =	vmul.f32 v5, v1;
	v62 =	vmul.f32 v3, v0;
	_ =	sdelay $0x1  }
0x1f7: {  	v63 =	vmul.f32 v4, v2;
	v0 =	vadd.f32 v61, v62;
	_ =	sdelay $0x1  }
0x1f8: {  	s18 =	sadd.s32 $0x1, s18;
	v0 =	vadd.f32 v63, v0  }
0x1f9: {  	p0 =	sne.s32 s18, s9  }
.Ltmp2:
0x1fa: {  	[tilespmem:s20+$0x8180] =	vst v0;
	(pc) =	sbr.rel @p0 .LBB2_1-.Ltmp2, $4  }
0x1fb: {  	[hbm4b:s8+s2] =	stream.linear.scatter [tilespmem:s17], [sflag:$0x1], $0x4000, $0x38;
	[tilespmem:$0x9000] =	vst v63  }
0x1fc: {  	_ =	swait.ge [sflag:s12], $0x4000  }
0x1fd: {  	[sflag:s12] =	ssyncset.done $0x0  }
0x1fe: {  	[sflag:s12] =	ssyncadd.s32 $0xFFFFC000  }
0x1ff: {  	_ =	sfence.sel $0x180000  }
0x200: {  	[bflag:$0x0] =	sbarrier.arrive $0xFFFF  }
0x201: {  	p0 =	sne.s32 s1, $0x0;
	_ =	strace $0x90000047  }
0x202: {  	s0 =	sadd.s32 @!p0 $0x100000, s0;
	[bflag:$0x2] =	sbarrier.arrive $0xFFFF  }
0x203: {  	[sflag:s0] =	ssyncadd.tile.s32 @!p0 $0x1;
	_ =	shalt  }
.Lfunc_end2:
_tile_overlayer_lowered:
.L_overlay_start_2:
0x204: {  	(tag) =	ssettag $0x2  }
0x205: {  	s0 =	rddreg [dreg:$0x0];
	s2 =	stileid.u32  }
0x206: {  	s1 =	rddreg [dreg:$0x1];
	p0 =	sne.s32 s2, $0x0  }
0x207: {  	s3 =	rddreg [dreg:$0x2];
	[bflag:$0x3] =	sbarrier.arrive $0xFFFF;
	s2 =	simm.s32 @!p0 $0x1C01  }
0x208: {  	[timem:s3], [sflag:s2] =	dma.local @!p0 [hbm:s0], s1  }
0x209: {  	s0 =	simm.s32 @!p0 $0x1  }
0x20a: {  	_ =	swait.ge @!p0 [sflag:s0], s1  }
0x20b: {  	s1 =	ssub.s32 @!p0 $0x0, s1;
	[sflag:s0] =	ssyncset.done @!p0 $0x0  }
0x20c: {  	[sflag:s0] =	ssyncadd.s32 @!p0 s1  }
0x20d: {  	[bflag:$0x3] =	sbarrier.arrive $0xFFFF  }
0x20e: {  	_ =	shalt  }

</sc_bundles>
